<compile_context>
chip_gen: v7x
topology: tpu7x:2x2x1
jax: 0.10.2.dev20260603
libtpu: 0.0.44.dev20260713+nightly
codegen_flags: <defaults>
</compile_context>

<pallas_src>
import functools

import jax
import jax.numpy as jnp
from jax import lax
from jax.experimental import pallas as pl
from jax.experimental.pallas import tpu as pltpu
from jax.experimental.pallas import tpu_sc as plsc

N = 10000
E = 320000
D = 128
N_PAD = 10240
SLICE = N_PAD // 16
CHUNK = 128
NCHUNK = E // CHUNK
NC, NS = 2, 16


def _sc_body(src_hbm, dst_hbm, x_hbm, zrows_hbm, zvec_hbm, ones_hbm,
             agg_out, g_out, inv_out,
             shared_agg, shared_cnt, shared_inv, shared_g,
             dstbuf, srcbuf, rowsbuf, onesbuf, wbuf, cntbuf, invbuf):
    tid = lax.axis_index("s")
    cid = lax.axis_index("c")
    wid = cid * NS + tid
    sl = pl.ds(tid * SLICE, SLICE)

    pltpu.sync_copy(ones_hbm, onesbuf)
    pltpu.sync_copy(zvec_hbm, shared_cnt.at[sl])
    pltpu.sync_copy(zvec_hbm, shared_g.at[sl])
    pltpu.sync_copy(zrows_hbm, shared_agg.at[sl])
    plsc.subcore_barrier()

    def p1(i, carry):
        c = tid + NS * i

        @pl.when(c < NCHUNK)
        def _():
            pltpu.sync_copy(dst_hbm.at[pl.ds(c * CHUNK, CHUNK)], dstbuf)
            pltpu.sync_copy(onesbuf, shared_cnt.at[dstbuf], add=True)
        return carry

    lax.fori_loop(0, (NCHUNK + NS - 1) // NS, p1, 0)
    plsc.subcore_barrier()

    pltpu.sync_copy(shared_cnt.at[sl], cntbuf)
    for j in range(SLICE // 16):
        v = cntbuf[pl.ds(j * 16, 16)]
        invbuf[pl.ds(j * 16, 16)] = 1.0 / jnp.maximum(v, 1.0)
    pltpu.sync_copy(invbuf, shared_inv.at[sl])
    pltpu.sync_copy(invbuf, inv_out.at[cid, sl])
    plsc.subcore_barrier()

    def p3(i, carry):
        c = wid + NC * NS * i

        @pl.when(c < NCHUNK)
        def _():
            off = c * CHUNK
            pltpu.sync_copy(dst_hbm.at[pl.ds(off, CHUNK)], dstbuf)
            pltpu.sync_copy(src_hbm.at[pl.ds(off, CHUNK)], srcbuf)
            pltpu.sync_copy(x_hbm.at[srcbuf], rowsbuf)
            pltpu.sync_copy(rowsbuf, shared_agg.at[dstbuf], add=True)
            pltpu.sync_copy(shared_inv.at[dstbuf], wbuf)
            pltpu.sync_copy(wbuf, shared_g.at[srcbuf], add=True)
        return carry

    lax.fori_loop(0, (NCHUNK + NC * NS - 1) // (NC * NS), p3, 0)
    plsc.subcore_barrier()

    pltpu.sync_copy(shared_agg.at[sl], agg_out.at[cid, sl])
    pltpu.sync_copy(shared_g.at[sl], g_out.at[cid, sl])


_sc_kernel = functools.partial(
    pl.kernel,
    out_type=(
        jax.ShapeDtypeStruct((NC, N_PAD, D), jnp.float32),
        jax.ShapeDtypeStruct((NC, N_PAD), jnp.float32),
        jax.ShapeDtypeStruct((NC, N_PAD), jnp.float32),
    ),
    mesh=plsc.VectorSubcoreMesh(
        core_axis_name="c", subcore_axis_name="s",
        num_cores=NC, num_subcores=NS),
    scratch_types=[
        pltpu.VMEM_SHARED((N_PAD, D), jnp.float32),
        pltpu.VMEM_SHARED((N_PAD,), jnp.float32),
        pltpu.VMEM_SHARED((N_PAD,), jnp.float32),
        pltpu.VMEM_SHARED((N_PAD,), jnp.float32),
        pltpu.VMEM((CHUNK,), jnp.int32),
        pltpu.VMEM((CHUNK,), jnp.int32),
        pltpu.VMEM((CHUNK, D), jnp.float32),
        pltpu.VMEM((CHUNK,), jnp.float32),
        pltpu.VMEM((CHUNK,), jnp.float32),
        pltpu.VMEM((SLICE,), jnp.float32),
        pltpu.VMEM((SLICE,), jnp.float32),
    ],
)(_sc_body)


def _tc_body(x_ref, aggp_ref, gp_ref, inv_ref,
             wl1t_ref, b1_ref, wr1t_ref, wl2t_ref, b2_ref, wr2t_ref,
             out_ref):
    agg = aggp_ref[0, :N, :] + aggp_ref[1, :N, :]
    inv = inv_ref[:N, :]
    mean1 = agg * inv
    x = x_ref[...]
    h = jnp.dot(mean1, wl1t_ref[...], preferred_element_type=jnp.float32)
    h += jnp.dot(x, wr1t_ref[...], preferred_element_type=jnp.float32)
    h += b1_ref[...]
    h = jnp.maximum(h, 0.0)
    g = gp_ref[0, :N, :] + gp_ref[1, :N, :]
    sh = jnp.sum(h, axis=0, keepdims=True)
    s2 = jnp.sum(h * g, axis=0, keepdims=True)
    pre = jnp.dot(s2, wl2t_ref[...], preferred_element_type=jnp.float32)
    pre += jnp.dot(sh, wr2t_ref[...], preferred_element_type=jnp.float32)
    pre = pre * (1.0 / N) + b2_ref[...]
    m = jnp.max(pre, axis=-1, keepdims=True)
    e = jnp.exp(pre - m)
    out_ref[...] = e / jnp.sum(e, axis=-1, keepdims=True)


_tc_kernel = pl.pallas_call(
    _tc_body,
    out_shape=jax.ShapeDtypeStruct((1, 16), jnp.float32),
)


def kernel(x, edge_index, W_l1, b_l1, W_r1, W_l2, b_l2, W_r2):
    src = edge_index[0]
    dst = edge_index[1]
    zrows = jnp.zeros((SLICE, D), jnp.float32)
    zvec = jnp.zeros((SLICE,), jnp.float32)
    ones = jnp.ones((CHUNK,), jnp.float32)
    agg_p, g_p, inv_p = _sc_kernel(src, dst, x, zrows, zvec, ones)
    return _tc_kernel(
        x, agg_p, g_p[:, :, None], inv_p[0][:, None],
        W_l1.T, b_l1[None, :], W_r1.T, W_l2.T, b_l2[None, :], W_r2.T)

# --- scband reference (transcript-rebuilt; emitter-appended) ---
"""Pipeline reference for scband-graph-sagemodel-29618094473354 (READ-ONLY COPY).

The authoritative reference and input builder live on the scoring server;
editing this copy changes nothing except your own understanding.
"""

import jax, jax.numpy as jnp
import numpy as np

N = 10000
E = 320000
D_IN = 128
D_HID = 128
D_OUT = 16


def setup_inputs(seed: int = 0) -> dict:
    key = jax.random.key(seed)
    ks = jax.random.split(key, 9)
    x = jax.random.normal(ks[0], (N, D_IN), dtype=jnp.float32)
    edge_index = jax.random.randint(ks[1], (2, E), 0, N, dtype=jnp.int32)
    s1 = 1.0 / np.sqrt(D_IN)
    s2 = 1.0 / np.sqrt(D_HID)
    W_l1 = jax.random.normal(ks[2], (D_HID, D_IN), dtype=jnp.float32) * s1
    b_l1 = jnp.zeros((D_HID,), dtype=jnp.float32)
    W_r1 = jax.random.normal(ks[3], (D_HID, D_IN), dtype=jnp.float32) * s1
    W_l2 = jax.random.normal(ks[4], (D_OUT, D_HID), dtype=jnp.float32) * s2
    b_l2 = jnp.zeros((D_OUT,), dtype=jnp.float32)
    W_r2 = jax.random.normal(ks[5], (D_OUT, D_HID), dtype=jnp.float32) * s2
    return {"x": x, "edge_index": edge_index, "W_l1": W_l1, "b_l1": b_l1,
            "W_r1": W_r1, "W_l2": W_l2, "b_l2": b_l2, "W_r2": W_r2}


def _sage_conv(h, edge_index, Wl, bl, Wr):
    # PyG SAGEConv with mean aggregation: out = lin_l(mean_agg(x_src -> dst)) + lin_r(x)
    src = edge_index[0]
    dst = edge_index[1]
    msg = h[src]  # gather: [E, d]
    agg = jax.ops.segment_sum(msg, dst, num_segments=N)
    cnt = jax.ops.segment_sum(jnp.ones((E,), dtype=h.dtype), dst, num_segments=N)
    mean = agg / jnp.clip(cnt, 1.0)[:, None]
    return mean @ Wl.T + bl + h @ Wr.T


def reference(x, edge_index, W_l1, b_l1, W_r1, W_l2, b_l2, W_r2):
    h = _sage_conv(x, edge_index, W_l1, b_l1, W_r1)
    h = jax.nn.relu(h)
    z = _sage_conv(h, edge_index, W_l2, b_l2, W_r2)
    # global_mean_pool(z, None): mean over all nodes -> [1, D_OUT]
    pooled = jnp.mean(z, axis=0, keepdims=True)
    # torch F.softmax with no dim defaults to last dim for 2D input
    return jax.nn.softmax(pooled, axis=-1)

if __name__ == "__main__":
    import jax
    _d = setup_inputs()
    print(jax.jit(kernel)(*tuple(_d.values())))

</pallas_src>

<mosaic_0001>
#map = affine_map<(d0, d1) -> (0)>
#map1 = affine_map<(d0, d1) -> (0, 0)>
#map2 = affine_map<(d0, d1) -> (0, 0, 0)>
module attributes {stable_mosaic.version = 14 : i64} {
  func.func @_sc_body(%arg0: i32, %arg1: i32, %arg2: memref<320000xi32, #tpu.memory_space<hbm>>, %arg3: memref<320000xi32, #tpu.memory_space<hbm>>, %arg4: memref<10000x128xf32, #tpu.memory_space<hbm>>, %arg5: memref<640x128xf32, #tpu.memory_space<hbm>>, %arg6: memref<640xf32, #tpu.memory_space<hbm>>, %arg7: memref<128xf32, #tpu.memory_space<hbm>>, %arg8: memref<2x10240x128xf32, #tpu.memory_space<hbm>>, %arg9: memref<2x10240xf32, #tpu.memory_space<hbm>>, %arg10: memref<2x10240xf32, #tpu.memory_space<hbm>>, %arg11: memref<10240x128xf32, #tpu.memory_space<vmem_shared>>, %arg12: memref<10240xf32, #tpu.memory_space<vmem_shared>>, %arg13: memref<10240xf32, #tpu.memory_space<vmem_shared>>, %arg14: memref<10240xf32, #tpu.memory_space<vmem_shared>>, %arg15: memref<128xi32, #tpu.memory_space<vmem>>, %arg16: memref<128xi32, #tpu.memory_space<vmem>>, %arg17: memref<128x128xf32, #tpu.memory_space<vmem>>, %arg18: memref<128xf32, #tpu.memory_space<vmem>>, %arg19: memref<128xf32, #tpu.memory_space<vmem>>, %arg20: memref<640xf32, #tpu.memory_space<vmem>>, %arg21: memref<640xf32, #tpu.memory_space<vmem>>) attributes {dimension_semantics = [#tpu.dimension_semantics<core_parallel>, #tpu.dimension_semantics<subcore_parallel>], iteration_bounds = array<i64: 2, 16>, scalar_prefetch = 0 : i64, scratch_operands = 11 : i64, tpu.core_type = #tpu.core_type<sc_vector_subcore>, window_params = [{transform_indices = #map}, {transform_indices = #map}, {transform_indices = #map1}, {transform_indices = #map1}, {transform_indices = #map}, {transform_indices = #map}, {transform_indices = #map2}, {transform_indices = #map1}, {transform_indices = #map1}]} {
    %mul3A = arith.constant 16 : i32
    %mul3A_0 = arith.muli %arg0, %mul3A : i32
    %add3A = arith.addi %mul3A_0, %arg1 : i32
    %mul3A_1 = arith.constant 640 : i32
    %mul3A_2 = arith.muli %arg1, %mul3A_1 : i32
    "tpu.region"() ({
      %run_scoped3A = tpu.sem_alloc : memref<!tpu.dma_semaphore, #tpu.memory_space<semaphore_mem>>
      tpu.enqueue_dma source(%arg7 : memref<128xf32, #tpu.memory_space<hbm>>) target(%arg18 : memref<128xf32, #tpu.memory_space<vmem>>) target_semaphore(%run_scoped3A : memref<!tpu.dma_semaphore, #tpu.memory_space<semaphore_mem>>)
      tpu.wait_dma2 semaphore(%run_scoped3A : memref<!tpu.dma_semaphore, #tpu.memory_space<semaphore_mem>>) src(%arg7 : memref<128xf32, #tpu.memory_space<hbm>>) dst(%arg18 : memref<128xf32, #tpu.memory_space<vmem>>)
      tpu.yield
    }) : () -> ()
    "tpu.region"() ({
      %run_scoped3A = tpu.sem_alloc : memref<!tpu.dma_semaphore, #tpu.memory_space<semaphore_mem>>
      %dma_start3A = tpu.memref_slice %arg12[%mul3A_2] : memref<10240xf32, #tpu.memory_space<vmem_shared>> -> memref<640xf32, #tpu.memory_space<vmem_shared>>
      tpu.enqueue_dma source(%arg6 : memref<640xf32, #tpu.memory_space<hbm>>) target(%dma_start3A : memref<640xf32, #tpu.memory_space<vmem_shared>>) target_semaphore(%run_scoped3A : memref<!tpu.dma_semaphore, #tpu.memory_space<semaphore_mem>>)
      %dma_wait3A = tpu.memref_slice %arg12[%mul3A_2] : memref<10240xf32, #tpu.memory_space<vmem_shared>> -> memref<640xf32, #tpu.memory_space<vmem_shared>>
      tpu.wait_dma2 semaphore(%run_scoped3A : memref<!tpu.dma_semaphore, #tpu.memory_space<semaphore_mem>>) src(%arg6 : memref<640xf32, #tpu.memory_space<hbm>>) dst(%dma_wait3A : memref<640xf32, #tpu.memory_space<vmem_shared>>)
      tpu.yield
    }) : () -> ()
    "tpu.region"() ({
      %run_scoped3A = tpu.sem_alloc : memref<!tpu.dma_semaphore, #tpu.memory_space<semaphore_mem>>
      %dma_start3A = tpu.memref_slice %arg14[%mul3A_2] : memref<10240xf32, #tpu.memory_space<vmem_shared>> -> memref<640xf32, #tpu.memory_space<vmem_shared>>
      tpu.enqueue_dma source(%arg6 : memref<640xf32, #tpu.memory_space<hbm>>) target(%dma_start3A : memref<640xf32, #tpu.memory_space<vmem_shared>>) target_semaphore(%run_scoped3A : memref<!tpu.dma_semaphore, #tpu.memory_space<semaphore_mem>>)
      %dma_wait3A = tpu.memref_slice %arg14[%mul3A_2] : memref<10240xf32, #tpu.memory_space<vmem_shared>> -> memref<640xf32, #tpu.memory_space<vmem_shared>>
      tpu.wait_dma2 semaphore(%run_scoped3A : memref<!tpu.dma_semaphore, #tpu.memory_space<semaphore_mem>>) src(%arg6 : memref<640xf32, #tpu.memory_space<hbm>>) dst(%dma_wait3A : memref<640xf32, #tpu.memory_space<vmem_shared>>)
      tpu.yield
    }) : () -> ()
    "tpu.region"() ({
      %run_scoped3A = tpu.sem_alloc : memref<!tpu.dma_semaphore, #tpu.memory_space<semaphore_mem>>
      %dma_start3A = arith.constant 0 : i32
      %dma_start3A_533 = tpu.memref_slice %arg11[%mul3A_2, %dma_start3A] : memref<10240x128xf32, #tpu.memory_space<vmem_shared>> -> memref<640x128xf32, #tpu.memory_space<vmem_shared>>
      tpu.enqueue_dma source(%arg5 : memref<640x128xf32, #tpu.memory_space<hbm>>) target(%dma_start3A_533 : memref<640x128xf32, #tpu.memory_space<vmem_shared>>) target_semaphore(%run_scoped3A : memref<!tpu.dma_semaphore, #tpu.memory_space<semaphore_mem>>)
      %dma_wait3A = arith.constant 0 : i32
      %dma_wait3A_534 = tpu.memref_slice %arg11[%mul3A_2, %dma_wait3A] : memref<10240x128xf32, #tpu.memory_space<vmem_shared>> -> memref<640x128xf32, #tpu.memory_space<vmem_shared>>
      tpu.wait_dma2 semaphore(%run_scoped3A : memref<!tpu.dma_semaphore, #tpu.memory_space<semaphore_mem>>) src(%arg5 : memref<640x128xf32, #tpu.memory_space<hbm>>) dst(%dma_wait3A_534 : memref<640x128xf32, #tpu.memory_space<vmem_shared>>)
      tpu.yield
    }) : () -> ()
    %barrier3A = arith.constant 0 : index
    tpu.barrier barrier_id(%barrier3A)
    %scan3A = arith.constant 0 : i32
    %scan3A_3 = arith.constant 0 : i32
    %scan3A_4 = arith.constant 157 : i32
    %scan3A_5 = arith.addi %scan3A_3, %scan3A_4 : i32
    %scan3A_6 = arith.constant 1 : i32
    scf.for %scan3A_533 = %scan3A_3 to %scan3A_5 step %scan3A_6  : i32 {
      %mul3A_534 = arith.constant 16 : i32
      %mul3A_535 = arith.muli %mul3A_534, %scan3A_533 : i32
      %add3A_536 = arith.addi %arg1, %mul3A_535 : i32
      %lt3A = arith.constant 2500 : i32
      %lt3A_537 = arith.cmpi slt, %add3A_536, %lt3A : i32
      %convert_element_type3A = arith.extui %lt3A_537 : i1 to i32
      %cond3A = arith.constant 0 : i32
      %cond3A_538 = arith.cmpi ne, %convert_element_type3A, %cond3A : i32
      scf.if %cond3A_538 {
        %mul3A_539 = arith.constant 128 : i32
        %mul3A_540 = arith.muli %add3A_536, %mul3A_539 : i32
        "tpu.region"() ({
          %run_scoped3A = tpu.sem_alloc : memref<!tpu.dma_semaphore, #tpu.memory_space<semaphore_mem>>
          %dma_start3A = tpu.memref_slice %arg3[%mul3A_540] : memref<320000xi32, #tpu.memory_space<hbm>> -> memref<128xi32, #tpu.memory_space<hbm>>
          %dma_start3A_541 = tpu.memref_slice %arg3[%mul3A_540] : memref<320000xi32, #tpu.memory_space<hbm>> -> memref<128xi32, #tpu.memory_space<hbm>>
          tpu.enqueue_dma source(%dma_start3A_541 : memref<128xi32, #tpu.memory_space<hbm>>) target(%arg15 : memref<128xi32, #tpu.memory_space<vmem>>) target_semaphore(%run_scoped3A : memref<!tpu.dma_semaphore, #tpu.memory_space<semaphore_mem>>)
          %dma_wait3A = tpu.memref_slice %arg3[%mul3A_540] : memref<320000xi32, #tpu.memory_space<hbm>> -> memref<128xi32, #tpu.memory_space<hbm>>
          %dma_wait3A_542 = tpu.memref_slice %arg3[%mul3A_540] : memref<320000xi32, #tpu.memory_space<hbm>> -> memref<128xi32, #tpu.memory_space<hbm>>
          tpu.wait_dma2 semaphore(%run_scoped3A : memref<!tpu.dma_semaphore, #tpu.memory_space<semaphore_mem>>) src(%dma_wait3A_542 : memref<128xi32, #tpu.memory_space<hbm>>) dst(%arg15 : memref<128xi32, #tpu.memory_space<vmem>>)
          tpu.yield
        }) : () -> ()
        "tpu.region"() ({
          %run_scoped3A = tpu.sem_alloc : memref<!tpu.dma_semaphore, #tpu.memory_space<semaphore_mem>>
          %dma_start3A = arith.constant 0 : i32
          %dma_start3A_541 = tpu.memref_slice %arg12[%dma_start3A] : memref<10240xf32, #tpu.memory_space<vmem_shared>> -> memref<10240xf32, #tpu.memory_space<vmem_shared>>
          tpu.enqueue_indirect_dma source(%arg18 : memref<128xf32, #tpu.memory_space<vmem>>) target(%dma_start3A_541 : memref<10240xf32, #tpu.memory_space<vmem_shared>>) offsets(%arg15 : memref<128xi32, #tpu.memory_space<vmem>>) semaphore(%run_scoped3A : memref<!tpu.dma_semaphore, #tpu.memory_space<semaphore_mem>>) {add = true}
          %dma_wait3A = arith.constant 0 : i32
          %dma_wait3A_542 = tpu.memref_slice %arg12[%dma_wait3A] : memref<10240xf32, #tpu.memory_space<vmem_shared>> -> memref<10240xf32, #tpu.memory_space<vmem_shared>>
          tpu.wait_indirect_dma semaphore(%run_scoped3A : memref<!tpu.dma_semaphore, #tpu.memory_space<semaphore_mem>>) src(%arg18 : memref<128xf32, #tpu.memory_space<vmem>>) dst(%dma_wait3A_542 : memref<10240xf32, #tpu.memory_space<vmem_shared>>)
          tpu.yield
        }) : () -> ()
      } else {
      }
    }
    %scan3A_7 = arith.constant 157 : i32
    %barrier3A_8 = arith.constant 0 : index
    tpu.barrier barrier_id(%barrier3A_8)
    "tpu.region"() ({
      %run_scoped3A = tpu.sem_alloc : memref<!tpu.dma_semaphore, #tpu.memory_space<semaphore_mem>>
      %dma_start3A = tpu.memref_slice %arg12[%mul3A_2] : memref<10240xf32, #tpu.memory_space<vmem_shared>> -> memref<640xf32, #tpu.memory_space<vmem_shared>>
      %dma_start3A_533 = tpu.memref_slice %arg12[%mul3A_2] : memref<10240xf32, #tpu.memory_space<vmem_shared>> -> memref<640xf32, #tpu.memory_space<vmem_shared>>
      tpu.enqueue_dma source(%dma_start3A_533 : memref<640xf32, #tpu.memory_space<vmem_shared>>) target(%arg20 : memref<640xf32, #tpu.memory_space<vmem>>) target_semaphore(%run_scoped3A : memref<!tpu.dma_semaphore, #tpu.memory_space<semaphore_mem>>)
      %dma_wait3A = tpu.memref_slice %arg12[%mul3A_2] : memref<10240xf32, #tpu.memory_space<vmem_shared>> -> memref<640xf32, #tpu.memory_space<vmem_shared>>
      %dma_wait3A_534 = tpu.memref_slice %arg12[%mul3A_2] : memref<10240xf32, #tpu.memory_space<vmem_shared>> -> memref<640xf32, #tpu.memory_space<vmem_shared>>
      tpu.wait_dma2 semaphore(%run_scoped3A : memref<!tpu.dma_semaphore, #tpu.memory_space<semaphore_mem>>) src(%dma_wait3A_534 : memref<640xf32, #tpu.memory_space<vmem_shared>>) dst(%arg20 : memref<640xf32, #tpu.memory_space<vmem>>)
      tpu.yield
    }) : () -> ()
    %get3A = arith.constant 0 : index
    %get3A_9 = tpu.vector_load %arg20[%get3A] {strides = array<i32>} : memref<640xf32, #tpu.memory_space<vmem>>, vector<16xf32>,
    %get3A_10 = vector.shape_cast %get3A_9 : vector<16xf32> to vector<16xf32>
    %max3A = arith.constant 1.000000e+00 : f32
    %max3A_11 = vector.broadcast %max3A : f32 to vector<16xf32>
    %max3A_12 = arith.maximumf %get3A_10, %max3A_11 : vector<16xf32>
    %div3A = arith.constant 1.000000e+00 : f32
    %div3A_13 = vector.broadcast %div3A : f32 to vector<16xf32>
    %div3A_14 = arith.divf %div3A_13, %max3A_12 : vector<16xf32>
    %swap3A = arith.constant 0 : index
    %swap3A_15 = tpu.vector_load %arg21[%swap3A] {strides = array<i32>} : memref<640xf32, #tpu.memory_space<vmem>>, vector<16xf32>,
    %swap3A_16 = vector.shape_cast %swap3A_15 : vector<16xf32> to vector<16xf32>
    %swap3A_17 = vector.shape_cast %div3A_14 : vector<16xf32> to vector<16xf32>
    tpu.vector_store %arg21[%swap3A], %swap3A_17 {strides = array<i32>} : memref<640xf32, #tpu.memory_space<vmem>>, vector<16xf32>,
    %get3A_18 = arith.constant 16 : index
    %get3A_19 = tpu.vector_load %arg20[%get3A_18] {strides = array<i32>} : memref<640xf32, #tpu.memory_space<vmem>>, vector<16xf32>,
    %get3A_20 = vector.shape_cast %get3A_19 : vector<16xf32> to vector<16xf32>
    %max3A_21 = arith.constant 1.000000e+00 : f32
    %max3A_22 = vector.broadcast %max3A_21 : f32 to vector<16xf32>
    %max3A_23 = arith.maximumf %get3A_20, %max3A_22 : vector<16xf32>
    %div3A_24 = arith.constant 1.000000e+00 : f32
    %div3A_25 = vector.broadcast %div3A_24 : f32 to vector<16xf32>
    %div3A_26 = arith.divf %div3A_25, %max3A_23 : vector<16xf32>
    %swap3A_27 = arith.constant 16 : index
    %swap3A_28 = tpu.vector_load %arg21[%swap3A_27] {strides = array<i32>} : memref<640xf32, #tpu.memory_space<vmem>>, vector<16xf32>,
    %swap3A_29 = vector.shape_cast %swap3A_28 : vector<16xf32> to vector<16xf32>
    %swap3A_30 = vector.shape_cast %div3A_26 : vector<16xf32> to vector<16xf32>
    tpu.vector_store %arg21[%swap3A_27], %swap3A_30 {strides = array<i32>} : memref<640xf32, #tpu.memory_space<vmem>>, vector<16xf32>,
    %get3A_31 = arith.constant 32 : index
    %get3A_32 = tpu.vector_load %arg20[%get3A_31] {strides = array<i32>} : memref<640xf32, #tpu.memory_space<vmem>>, vector<16xf32>,
    %get3A_33 = vector.shape_cast %get3A_32 : vector<16xf32> to vector<16xf32>
    %max3A_34 = arith.constant 1.000000e+00 : f32
    %max3A_35 = vector.broadcast %max3A_34 : f32 to vector<16xf32>
    %max3A_36 = arith.maximumf %get3A_33, %max3A_35 : vector<16xf32>
    %div3A_37 = arith.constant 1.000000e+00 : f32
    %div3A_38 = vector.broadcast %div3A_37 : f32 to vector<16xf32>
    %div3A_39 = arith.divf %div3A_38, %max3A_36 : vector<16xf32>
    %swap3A_40 = arith.constant 32 : index
    %swap3A_41 = tpu.vector_load %arg21[%swap3A_40] {strides = array<i32>} : memref<640xf32, #tpu.memory_space<vmem>>, vector<16xf32>,
    %swap3A_42 = vector.shape_cast %swap3A_41 : vector<16xf32> to vector<16xf32>
    %swap3A_43 = vector.shape_cast %div3A_39 : vector<16xf32> to vector<16xf32>
    tpu.vector_store %arg21[%swap3A_40], %swap3A_43 {strides = array<i32>} : memref<640xf32, #tpu.memory_space<vmem>>, vector<16xf32>,
    %get3A_44 = arith.constant 48 : index
    %get3A_45 = tpu.vector_load %arg20[%get3A_44] {strides = array<i32>} : memref<640xf32, #tpu.memory_space<vmem>>, vector<16xf32>,
    %get3A_46 = vector.shape_cast %get3A_45 : vector<16xf32> to vector<16xf32>
    %max3A_47 = arith.constant 1.000000e+00 : f32
    %max3A_48 = vector.broadcast %max3A_47 : f32 to vector<16xf32>
    %max3A_49 = arith.maximumf %get3A_46, %max3A_48 : vector<16xf32>
    %div3A_50 = arith.constant 1.000000e+00 : f32
    %div3A_51 = vector.broadcast %div3A_50 : f32 to vector<16xf32>
    %div3A_52 = arith.divf %div3A_51, %max3A_49 : vector<16xf32>
    %swap3A_53 = arith.constant 48 : index
    %swap3A_54 = tpu.vector_load %arg21[%swap3A_53] {strides = array<i32>} : memref<640xf32, #tpu.memory_space<vmem>>, vector<16xf32>,
    %swap3A_55 = vector.shape_cast %swap3A_54 : vector<16xf32> to vector<16xf32>
    %swap3A_56 = vector.shape_cast %div3A_52 : vector<16xf32> to vector<16xf32>
    tpu.vector_store %arg21[%swap3A_53], %swap3A_56 {strides = array<i32>} : memref<640xf32, #tpu.memory_space<vmem>>, vector<16xf32>,
    %get3A_57 = arith.constant 64 : index
    %get3A_58 = tpu.vector_load %arg20[%get3A_57] {strides = array<i32>} : memref<640xf32, #tpu.memory_space<vmem>>, vector<16xf32>,
    %get3A_59 = vector.shape_cast %get3A_58 : vector<16xf32> to vector<16xf32>
    %max3A_60 = arith.constant 1.000000e+00 : f32
    %max3A_61 = vector.broadcast %max3A_60 : f32 to vector<16xf32>
    %max3A_62 = arith.maximumf %get3A_59, %max3A_61 : vector<16xf32>
    %div3A_63 = arith.constant 1.000000e+00 : f32
    %div3A_64 = vector.broadcast %div3A_63 : f32 to vector<16xf32>
    %div3A_65 = arith.divf %div3A_64, %max3A_62 : vector<16xf32>
    %swap3A_66 = arith.constant 64 : index
    %swap3A_67 = tpu.vector_load %arg21[%swap3A_66] {strides = array<i32>} : memref<640xf32, #tpu.memory_space<vmem>>, vector<16xf32>,
    %swap3A_68 = vector.shape_cast %swap3A_67 : vector<16xf32> to vector<16xf32>
    %swap3A_69 = vector.shape_cast %div3A_65 : vector<16xf32> to vector<16xf32>
    tpu.vector_store %arg21[%swap3A_66], %swap3A_69 {strides = array<i32>} : memref<640xf32, #tpu.memory_space<vmem>>, vector<16xf32>,
    %get3A_70 = arith.constant 80 : index
    %get3A_71 = tpu.vector_load %arg20[%get3A_70] {strides = array<i32>} : memref<640xf32, #tpu.memory_space<vmem>>, vector<16xf32>,
    %get3A_72 = vector.shape_cast %get3A_71 : vector<16xf32> to vector<16xf32>
    %max3A_73 = arith.constant 1.000000e+00 : f32
    %max3A_74 = vector.broadcast %max3A_73 : f32 to vector<16xf32>
    %max3A_75 = arith.maximumf %get3A_72, %max3A_74 : vector<16xf32>
    %div3A_76 = arith.constant 1.000000e+00 : f32
    %div3A_77 = vector.broadcast %div3A_76 : f32 to vector<16xf32>
    %div3A_78 = arith.divf %div3A_77, %max3A_75 : vector<16xf32>
    %swap3A_79 = arith.constant 80 : index
    %swap3A_80 = tpu.vector_load %arg21[%swap3A_79] {strides = array<i32>} : memref<640xf32, #tpu.memory_space<vmem>>, vector<16xf32>,
    %swap3A_81 = vector.shape_cast %swap3A_80 : vector<16xf32> to vector<16xf32>
    %swap3A_82 = vector.shape_cast %div3A_78 : vector<16xf32> to vector<16xf32>
    tpu.vector_store %arg21[%swap3A_79], %swap3A_82 {strides = array<i32>} : memref<640xf32, #tpu.memory_space<vmem>>, vector<16xf32>,
    %get3A_83 = arith.constant 96 : index
    %get3A_84 = tpu.vector_load %arg20[%get3A_83] {strides = array<i32>} : memref<640xf32, #tpu.memory_space<vmem>>, vector<16xf32>,
    %get3A_85 = vector.shape_cast %get3A_84 : vector<16xf32> to vector<16xf32>
    %max3A_86 = arith.constant 1.000000e+00 : f32
    %max3A_87 = vector.broadcast %max3A_86 : f32 to vector<16xf32>
    %max3A_88 = arith.maximumf %get3A_85, %max3A_87 : vector<16xf32>
    %div3A_89 = arith.constant 1.000000e+00 : f32
    %div3A_90 = vector.broadcast %div3A_89 : f32 to vector<16xf32>
    %div3A_91 = arith.divf %div3A_90, %max3A_88 : vector<16xf32>
    %swap3A_92 = arith.constant 96 : index
    %swap3A_93 = tpu.vector_load %arg21[%swap3A_92] {strides = array<i32>} : memref<640xf32, #tpu.memory_space<vmem>>, vector<16xf32>,
    %swap3A_94 = vector.shape_cast %swap3A_93 : vector<16xf32> to vector<16xf32>
    %swap3A_95 = vector.shape_cast %div3A_91 : vector<16xf32> to vector<16xf32>
    tpu.vector_store %arg21[%swap3A_92], %swap3A_95 {strides = array<i32>} : memref<640xf32, #tpu.memory_space<vmem>>, vector<16xf32>,
    %get3A_96 = arith.constant 112 : index
    %get3A_97 = tpu.vector_load %arg20[%get3A_96] {strides = array<i32>} : memref<640xf32, #tpu.memory_space<vmem>>, vector<16xf32>,
    %get3A_98 = vector.shape_cast %get3A_97 : vector<16xf32> to vector<16xf32>
    %max3A_99 = arith.constant 1.000000e+00 : f32
    %max3A_100 = vector.broadcast %max3A_99 : f32 to vector<16xf32>
    %max3A_101 = arith.maximumf %get3A_98, %max3A_100 : vector<16xf32>
    %div3A_102 = arith.constant 1.000000e+00 : f32
    %div3A_103 = vector.broadcast %div3A_102 : f32 to vector<16xf32>
    %div3A_104 = arith.divf %div3A_103, %max3A_101 : vector<16xf32>
    %swap3A_105 = arith.constant 112 : index
    %swap3A_106 = tpu.vector_load %arg21[%swap3A_105] {strides = array<i32>} : memref<640xf32, #tpu.memory_space<vmem>>, vector<16xf32>,
    %swap3A_107 = vector.shape_cast %swap3A_106 : vector<16xf32> to vector<16xf32>
    %swap3A_108 = vector.shape_cast %div3A_104 : vector<16xf32> to vector<16xf32>
    tpu.vector_store %arg21[%swap3A_105], %swap3A_108 {strides = array<i32>} : memref<640xf32, #tpu.memory_space<vmem>>, vector<16xf32>,
    %get3A_109 = arith.constant 128 : index
    %get3A_110 = tpu.vector_load %arg20[%get3A_109] {strides = array<i32>} : memref<640xf32, #tpu.memory_space<vmem>>, vector<16xf32>,
    %get3A_111 = vector.shape_cast %get3A_110 : vector<16xf32> to vector<16xf32>
    %max3A_112 = arith.constant 1.000000e+00 : f32
    %max3A_113 = vector.broadcast %max3A_112 : f32 to vector<16xf32>
    %max3A_114 = arith.maximumf %get3A_111, %max3A_113 : vector<16xf32>
    %div3A_115 = arith.constant 1.000000e+00 : f32
    %div3A_116 = vector.broadcast %div3A_115 : f32 to vector<16xf32>
    %div3A_117 = arith.divf %div3A_116, %max3A_114 : vector<16xf32>
    %swap3A_118 = arith.constant 128 : index
    %swap3A_119 = tpu.vector_load %arg21[%swap3A_118] {strides = array<i32>} : memref<640xf32, #tpu.memory_space<vmem>>, vector<16xf32>,
    %swap3A_120 = vector.shape_cast %swap3A_119 : vector<16xf32> to vector<16xf32>
    %swap3A_121 = vector.shape_cast %div3A_117 : vector<16xf32> to vector<16xf32>
    tpu.vector_store %arg21[%swap3A_118], %swap3A_121 {strides = array<i32>} : memref<640xf32, #tpu.memory_space<vmem>>, vector<16xf32>,
    %get3A_122 = arith.constant 144 : index
    %get3A_123 = tpu.vector_load %arg20[%get3A_122] {strides = array<i32>} : memref<640xf32, #tpu.memory_space<vmem>>, vector<16xf32>,
    %get3A_124 = vector.shape_cast %get3A_123 : vector<16xf32> to vector<16xf32>
    %max3A_125 = arith.constant 1.000000e+00 : f32
    %max3A_126 = vector.broadcast %max3A_125 : f32 to vector<16xf32>
    %max3A_127 = arith.maximumf %get3A_124, %max3A_126 : vector<16xf32>
    %div3A_128 = arith.constant 1.000000e+00 : f32
    %div3A_129 = vector.broadcast %div3A_128 : f32 to vector<16xf32>
    %div3A_130 = arith.divf %div3A_129, %max3A_127 : vector<16xf32>
    %swap3A_131 = arith.constant 144 : index
    %swap3A_132 = tpu.vector_load %arg21[%swap3A_131] {strides = array<i32>} : memref<640xf32, #tpu.memory_space<vmem>>, vector<16xf32>,
    %swap3A_133 = vector.shape_cast %swap3A_132 : vector<16xf32> to vector<16xf32>
    %swap3A_134 = vector.shape_cast %div3A_130 : vector<16xf32> to vector<16xf32>
    tpu.vector_store %arg21[%swap3A_131], %swap3A_134 {strides = array<i32>} : memref<640xf32, #tpu.memory_space<vmem>>, vector<16xf32>,
    %get3A_135 = arith.constant 160 : index
    %get3A_136 = tpu.vector_load %arg20[%get3A_135] {strides = array<i32>} : memref<640xf32, #tpu.memory_space<vmem>>, vector<16xf32>,
    %get3A_137 = vector.shape_cast %get3A_136 : vector<16xf32> to vector<16xf32>
    %max3A_138 = arith.constant 1.000000e+00 : f32
    %max3A_139 = vector.broadcast %max3A_138 : f32 to vector<16xf32>
    %max3A_140 = arith.maximumf %get3A_137, %max3A_139 : vector<16xf32>
    %div3A_141 = arith.constant 1.000000e+00 : f32
    %div3A_142 = vector.broadcast %div3A_141 : f32 to vector<16xf32>
    %div3A_143 = arith.divf %div3A_142, %max3A_140 : vector<16xf32>
    %swap3A_144 = arith.constant 160 : index
    %swap3A_145 = tpu.vector_load %arg21[%swap3A_144] {strides = array<i32>} : memref<640xf32, #tpu.memory_space<vmem>>, vector<16xf32>,
    %swap3A_146 = vector.shape_cast %swap3A_145 : vector<16xf32> to vector<16xf32>
    %swap3A_147 = vector.shape_cast %div3A_143 : vector<16xf32> to vector<16xf32>
    tpu.vector_store %arg21[%swap3A_144], %swap3A_147 {strides = array<i32>} : memref<640xf32, #tpu.memory_space<vmem>>, vector<16xf32>,
    %get3A_148 = arith.constant 176 : index
    %get3A_149 = tpu.vector_load %arg20[%get3A_148] {strides = array<i32>} : memref<640xf32, #tpu.memory_space<vmem>>, vector<16xf32>,
    %get3A_150 = vector.shape_cast %get3A_149 : vector<16xf32> to vector<16xf32>
    %max3A_151 = arith.constant 1.000000e+00 : f32
    %max3A_152 = vector.broadcast %max3A_151 : f32 to vector<16xf32>
    %max3A_153 = arith.maximumf %get3A_150, %max3A_152 : vector<16xf32>
    %div3A_154 = arith.constant 1.000000e+00 : f32
    %div3A_155 = vector.broadcast %div3A_154 : f32 to vector<16xf32>
    %div3A_156 = arith.divf %div3A_155, %max3A_153 : vector<16xf32>
    %swap3A_157 = arith.constant 176 : index
    %swap3A_158 = tpu.vector_load %arg21[%swap3A_157] {strides = array<i32>} : memref<640xf32, #tpu.memory_space<vmem>>, vector<16xf32>,
    %swap3A_159 = vector.shape_cast %swap3A_158 : vector<16xf32> to vector<16xf32>
    %swap3A_160 = vector.shape_cast %div3A_156 : vector<16xf32> to vector<16xf32>
    tpu.vector_store %arg21[%swap3A_157], %swap3A_160 {strides = array<i32>} : memref<640xf32, #tpu.memory_space<vmem>>, vector<16xf32>,
    %get3A_161 = arith.constant 192 : index
    %get3A_162 = tpu.vector_load %arg20[%get3A_161] {strides = array<i32>} : memref<640xf32, #tpu.memory_space<vmem>>, vector<16xf32>,
    %get3A_163 = vector.shape_cast %get3A_162 : vector<16xf32> to vector<16xf32>
    %max3A_164 = arith.constant 1.000000e+00 : f32
    %max3A_165 = vector.broadcast %max3A_164 : f32 to vector<16xf32>
    %max3A_166 = arith.maximumf %get3A_163, %max3A_165 : vector<16xf32>
    %div3A_167 = arith.constant 1.000000e+00 : f32
    %div3A_168 = vector.broadcast %div3A_167 : f32 to vector<16xf32>
    %div3A_169 = arith.divf %div3A_168, %max3A_166 : vector<16xf32>
    %swap3A_170 = arith.constant 192 : index
    %swap3A_171 = tpu.vector_load %arg21[%swap3A_170] {strides = array<i32>} : memref<640xf32, #tpu.memory_space<vmem>>, vector<16xf32>,
    %swap3A_172 = vector.shape_cast %swap3A_171 : vector<16xf32> to vector<16xf32>
    %swap3A_173 = vector.shape_cast %div3A_169 : vector<16xf32> to vector<16xf32>
    tpu.vector_store %arg21[%swap3A_170], %swap3A_173 {strides = array<i32>} : memref<640xf32, #tpu.memory_space<vmem>>, vector<16xf32>,
    %get3A_174 = arith.constant 208 : index
    %get3A_175 = tpu.vector_load %arg20[%get3A_174] {strides = array<i32>} : memref<640xf32, #tpu.memory_space<vmem>>, vector<16xf32>,
    %get3A_176 = vector.shape_cast %get3A_175 : vector<16xf32> to vector<16xf32>
    %max3A_177 = arith.constant 1.000000e+00 : f32
    %max3A_178 = vector.broadcast %max3A_177 : f32 to vector<16xf32>
    %max3A_179 = arith.maximumf %get3A_176, %max3A_178 : vector<16xf32>
    %div3A_180 = arith.constant 1.000000e+00 : f32
    %div3A_181 = vector.broadcast %div3A_180 : f32 to vector<16xf32>
    %div3A_182 = arith.divf %div3A_181, %max3A_179 : vector<16xf32>
    %swap3A_183 = arith.constant 208 : index
    %swap3A_184 = tpu.vector_load %arg21[%swap3A_183] {strides = array<i32>} : memref<640xf32, #tpu.memory_space<vmem>>, vector<16xf32>,
    %swap3A_185 = vector.shape_cast %swap3A_184 : vector<16xf32> to vector<16xf32>
    %swap3A_186 = vector.shape_cast %div3A_182 : vector<16xf32> to vector<16xf32>
    tpu.vector_store %arg21[%swap3A_183], %swap3A_186 {strides = array<i32>} : memref<640xf32, #tpu.memory_space<vmem>>, vector<16xf32>,
    %get3A_187 = arith.constant 224 : index
    %get3A_188 = tpu.vector_load %arg20[%get3A_187] {strides = array<i32>} : memref<640xf32, #tpu.memory_space<vmem>>, vector<16xf32>,
    %get3A_189 = vector.shape_cast %get3A_188 : vector<16xf32> to vector<16xf32>
    %max3A_190 = arith.constant 1.000000e+00 : f32
    %max3A_191 = vector.broadcast %max3A_190 : f32 to vector<16xf32>
    %max3A_192 = arith.maximumf %get3A_189, %max3A_191 : vector<16xf32>
    %div3A_193 = arith.constant 1.000000e+00 : f32
    %div3A_194 = vector.broadcast %div3A_193 : f32 to vector<16xf32>
    %div3A_195 = arith.divf %div3A_194, %max3A_192 : vector<16xf32>
    %swap3A_196 = arith.constant 224 : index
    %swap3A_197 = tpu.vector_load %arg21[%swap3A_196] {strides = array<i32>} : memref<640xf32, #tpu.memory_space<vmem>>, vector<16xf32>,
    %swap3A_198 = vector.shape_cast %swap3A_197 : vector<16xf32> to vector<16xf32>
    %swap3A_199 = vector.shape_cast %div3A_195 : vector<16xf32> to vector<16xf32>
    tpu.vector_store %arg21[%swap3A_196], %swap3A_199 {strides = array<i32>} : memref<640xf32, #tpu.memory_space<vmem>>, vector<16xf32>,
    %get3A_200 = arith.constant 240 : index
    %get3A_201 = tpu.vector_load %arg20[%get3A_200] {strides = array<i32>} : memref<640xf32, #tpu.memory_space<vmem>>, vector<16xf32>,
    %get3A_202 = vector.shape_cast %get3A_201 : vector<16xf32> to vector<16xf32>
    %max3A_203 = arith.constant 1.000000e+00 : f32
    %max3A_204 = vector.broadcast %max3A_203 : f32 to vector<16xf32>
    %max3A_205 = arith.maximumf %get3A_202, %max3A_204 : vector<16xf32>
    %div3A_206 = arith.constant 1.000000e+00 : f32
    %div3A_207 = vector.broadcast %div3A_206 : f32 to vector<16xf32>
    %div3A_208 = arith.divf %div3A_207, %max3A_205 : vector<16xf32>
    %swap3A_209 = arith.constant 240 : index
    %swap3A_210 = tpu.vector_load %arg21[%swap3A_209] {strides = array<i32>} : memref<640xf32, #tpu.memory_space<vmem>>, vector<16xf32>,
    %swap3A_211 = vector.shape_cast %swap3A_210 : vector<16xf32> to vector<16xf32>
    %swap3A_212 = vector.shape_cast %div3A_208 : vector<16xf32> to vector<16xf32>
    tpu.vector_store %arg21[%swap3A_209], %swap3A_212 {strides = array<i32>} : memref<640xf32, #tpu.memory_space<vmem>>, vector<16xf32>,
    %get3A_213 = arith.constant 256 : index
    %get3A_214 = tpu.vector_load %arg20[%get3A_213] {strides = array<i32>} : memref<640xf32, #tpu.memory_space<vmem>>, vector<16xf32>,
    %get3A_215 = vector.shape_cast %get3A_214 : vector<16xf32> to vector<16xf32>
    %max3A_216 = arith.constant 1.000000e+00 : f32
    %max3A_217 = vector.broadcast %max3A_216 : f32 to vector<16xf32>
    %max3A_218 = arith.maximumf %get3A_215, %max3A_217 : vector<16xf32>
    %div3A_219 = arith.constant 1.000000e+00 : f32
    %div3A_220 = vector.broadcast %div3A_219 : f32 to vector<16xf32>
    %div3A_221 = arith.divf %div3A_220, %max3A_218 : vector<16xf32>
    %swap3A_222 = arith.constant 256 : index
    %swap3A_223 = tpu.vector_load %arg21[%swap3A_222] {strides = array<i32>} : memref<640xf32, #tpu.memory_space<vmem>>, vector<16xf32>,
    %swap3A_224 = vector.shape_cast %swap3A_223 : vector<16xf32> to vector<16xf32>
    %swap3A_225 = vector.shape_cast %div3A_221 : vector<16xf32> to vector<16xf32>
    tpu.vector_store %arg21[%swap3A_222], %swap3A_225 {strides = array<i32>} : memref<640xf32, #tpu.memory_space<vmem>>, vector<16xf32>,
    %get3A_226 = arith.constant 272 : index
    %get3A_227 = tpu.vector_load %arg20[%get3A_226] {strides = array<i32>} : memref<640xf32, #tpu.memory_space<vmem>>, vector<16xf32>,
    %get3A_228 = vector.shape_cast %get3A_227 : vector<16xf32> to vector<16xf32>
    %max3A_229 = arith.constant 1.000000e+00 : f32
    %max3A_230 = vector.broadcast %max3A_229 : f32 to vector<16xf32>
    %max3A_231 = arith.maximumf %get3A_228, %max3A_230 : vector<16xf32>
    %div3A_232 = arith.constant 1.000000e+00 : f32
    %div3A_233 = vector.broadcast %div3A_232 : f32 to vector<16xf32>
    %div3A_234 = arith.divf %div3A_233, %max3A_231 : vector<16xf32>
    %swap3A_235 = arith.constant 272 : index
    %swap3A_236 = tpu.vector_load %arg21[%swap3A_235] {strides = array<i32>} : memref<640xf32, #tpu.memory_space<vmem>>, vector<16xf32>,
    %swap3A_237 = vector.shape_cast %swap3A_236 : vector<16xf32> to vector<16xf32>
    %swap3A_238 = vector.shape_cast %div3A_234 : vector<16xf32> to vector<16xf32>
    tpu.vector_store %arg21[%swap3A_235], %swap3A_238 {strides = array<i32>} : memref<640xf32, #tpu.memory_space<vmem>>, vector<16xf32>,
    %get3A_239 = arith.constant 288 : index
    %get3A_240 = tpu.vector_load %arg20[%get3A_239] {strides = array<i32>} : memref<640xf32, #tpu.memory_space<vmem>>, vector<16xf32>,
    %get3A_241 = vector.shape_cast %get3A_240 : vector<16xf32> to vector<16xf32>
    %max3A_242 = arith.constant 1.000000e+00 : f32
    %max3A_243 = vector.broadcast %max3A_242 : f32 to vector<16xf32>
    %max3A_244 = arith.maximumf %get3A_241, %max3A_243 : vector<16xf32>
    %div3A_245 = arith.constant 1.000000e+00 : f32
    %div3A_246 = vector.broadcast %div3A_245 : f32 to vector<16xf32>
    %div3A_247 = arith.divf %div3A_246, %max3A_244 : vector<16xf32>
    %swap3A_248 = arith.constant 288 : index
    %swap3A_249 = tpu.vector_load %arg21[%swap3A_248] {strides = array<i32>} : memref<640xf32, #tpu.memory_space<vmem>>, vector<16xf32>,
    %swap3A_250 = vector.shape_cast %swap3A_249 : vector<16xf32> to vector<16xf32>
    %swap3A_251 = vector.shape_cast %div3A_247 : vector<16xf32> to vector<16xf32>
    tpu.vector_store %arg21[%swap3A_248], %swap3A_251 {strides = array<i32>} : memref<640xf32, #tpu.memory_space<vmem>>, vector<16xf32>,
    %get3A_252 = arith.constant 304 : index
    %get3A_253 = tpu.vector_load %arg20[%get3A_252] {strides = array<i32>} : memref<640xf32, #tpu.memory_space<vmem>>, vector<16xf32>,
    %get3A_254 = vector.shape_cast %get3A_253 : vector<16xf32> to vector<16xf32>
    %max3A_255 = arith.constant 1.000000e+00 : f32
    %max3A_256 = vector.broadcast %max3A_255 : f32 to vector<16xf32>
    %max3A_257 = arith.maximumf %get3A_254, %max3A_256 : vector<16xf32>
    %div3A_258 = arith.constant 1.000000e+00 : f32
    %div3A_259 = vector.broadcast %div3A_258 : f32 to vector<16xf32>
    %div3A_260 = arith.divf %div3A_259, %max3A_257 : vector<16xf32>
    %swap3A_261 = arith.constant 304 : index
    %swap3A_262 = tpu.vector_load %arg21[%swap3A_261] {strides = array<i32>} : memref<640xf32, #tpu.memory_space<vmem>>, vector<16xf32>,
    %swap3A_263 = vector.shape_cast %swap3A_262 : vector<16xf32> to vector<16xf32>
    %swap3A_264 = vector.shape_cast %div3A_260 : vector<16xf32> to vector<16xf32>
    tpu.vector_store %arg21[%swap3A_261], %swap3A_264 {strides = array<i32>} : memref<640xf32, #tpu.memory_space<vmem>>, vector<16xf32>,
    %get3A_265 = arith.constant 320 : index
    %get3A_266 = tpu.vector_load %arg20[%get3A_265] {strides = array<i32>} : memref<640xf32, #tpu.memory_space<vmem>>, vector<16xf32>,
    %get3A_267 = vector.shape_cast %get3A_266 : vector<16xf32> to vector<16xf32>
    %max3A_268 = arith.constant 1.000000e+00 : f32
    %max3A_269 = vector.broadcast %max3A_268 : f32 to vector<16xf32>
    %max3A_270 = arith.maximumf %get3A_267, %max3A_269 : vector<16xf32>
    %div3A_271 = arith.constant 1.000000e+00 : f32
    %div3A_272 = vector.broadcast %div3A_271 : f32 to vector<16xf32>
    %div3A_273 = arith.divf %div3A_272, %max3A_270 : vector<16xf32>
    %swap3A_274 = arith.constant 320 : index
    %swap3A_275 = tpu.vector_load %arg21[%swap3A_274] {strides = array<i32>} : memref<640xf32, #tpu.memory_space<vmem>>, vector<16xf32>,
    %swap3A_276 = vector.shape_cast %swap3A_275 : vector<16xf32> to vector<16xf32>
    %swap3A_277 = vector.shape_cast %div3A_273 : vector<16xf32> to vector<16xf32>
    tpu.vector_store %arg21[%swap3A_274], %swap3A_277 {strides = array<i32>} : memref<640xf32, #tpu.memory_space<vmem>>, vector<16xf32>,
    %get3A_278 = arith.constant 336 : index
    %get3A_279 = tpu.vector_load %arg20[%get3A_278] {strides = array<i32>} : memref<640xf32, #tpu.memory_space<vmem>>, vector<16xf32>,
    %get3A_280 = vector.shape_cast %get3A_279 : vector<16xf32> to vector<16xf32>
    %max3A_281 = arith.constant 1.000000e+00 : f32
    %max3A_282 = vector.broadcast %max3A_281 : f32 to vector<16xf32>
    %max3A_283 = arith.maximumf %get3A_280, %max3A_282 : vector<16xf32>
    %div3A_284 = arith.constant 1.000000e+00 : f32
    %div3A_285 = vector.broadcast %div3A_284 : f32 to vector<16xf32>
    %div3A_286 = arith.divf %div3A_285, %max3A_283 : vector<16xf32>
    %swap3A_287 = arith.constant 336 : index
    %swap3A_288 = tpu.vector_load %arg21[%swap3A_287] {strides = array<i32>} : memref<640xf32, #tpu.memory_space<vmem>>, vector<16xf32>,
    %swap3A_289 = vector.shape_cast %swap3A_288 : vector<16xf32> to vector<16xf32>
    %swap3A_290 = vector.shape_cast %div3A_286 : vector<16xf32> to vector<16xf32>
    tpu.vector_store %arg21[%swap3A_287], %swap3A_290 {strides = array<i32>} : memref<640xf32, #tpu.memory_space<vmem>>, vector<16xf32>,
    %get3A_291 = arith.constant 352 : index
    %get3A_292 = tpu.vector_load %arg20[%get3A_291] {strides = array<i32>} : memref<640xf32, #tpu.memory_space<vmem>>, vector<16xf32>,
    %get3A_293 = vector.shape_cast %get3A_292 : vector<16xf32> to vector<16xf32>
    %max3A_294 = arith.constant 1.000000e+00 : f32
    %max3A_295 = vector.broadcast %max3A_294 : f32 to vector<16xf32>
    %max3A_296 = arith.maximumf %get3A_293, %max3A_295 : vector<16xf32>
    %div3A_297 = arith.constant 1.000000e+00 : f32
    %div3A_298 = vector.broadcast %div3A_297 : f32 to vector<16xf32>
    %div3A_299 = arith.divf %div3A_298, %max3A_296 : vector<16xf32>
    %swap3A_300 = arith.constant 352 : index
    %swap3A_301 = tpu.vector_load %arg21[%swap3A_300] {strides = array<i32>} : memref<640xf32, #tpu.memory_space<vmem>>, vector<16xf32>,
    %swap3A_302 = vector.shape_cast %swap3A_301 : vector<16xf32> to vector<16xf32>
    %swap3A_303 = vector.shape_cast %div3A_299 : vector<16xf32> to vector<16xf32>
    tpu.vector_store %arg21[%swap3A_300], %swap3A_303 {strides = array<i32>} : memref<640xf32, #tpu.memory_space<vmem>>, vector<16xf32>,
    %get3A_304 = arith.constant 368 : index
    %get3A_305 = tpu.vector_load %arg20[%get3A_304] {strides = array<i32>} : memref<640xf32, #tpu.memory_space<vmem>>, vector<16xf32>,
    %get3A_306 = vector.shape_cast %get3A_305 : vector<16xf32> to vector<16xf32>
    %max3A_307 = arith.constant 1.000000e+00 : f32
    %max3A_308 = vector.broadcast %max3A_307 : f32 to vector<16xf32>
    %max3A_309 = arith.maximumf %get3A_306, %max3A_308 : vector<16xf32>
    %div3A_310 = arith.constant 1.000000e+00 : f32
    %div3A_311 = vector.broadcast %div3A_310 : f32 to vector<16xf32>
    %div3A_312 = arith.divf %div3A_311, %max3A_309 : vector<16xf32>
    %swap3A_313 = arith.constant 368 : index
    %swap3A_314 = tpu.vector_load %arg21[%swap3A_313] {strides = array<i32>} : memref<640xf32, #tpu.memory_space<vmem>>, vector<16xf32>,
    %swap3A_315 = vector.shape_cast %swap3A_314 : vector<16xf32> to vector<16xf32>
    %swap3A_316 = vector.shape_cast %div3A_312 : vector<16xf32> to vector<16xf32>
    tpu.vector_store %arg21[%swap3A_313], %swap3A_316 {strides = array<i32>} : memref<640xf32, #tpu.memory_space<vmem>>, vector<16xf32>,
    %get3A_317 = arith.constant 384 : index
    %get3A_318 = tpu.vector_load %arg20[%get3A_317] {strides = array<i32>} : memref<640xf32, #tpu.memory_space<vmem>>, vector<16xf32>,
    %get3A_319 = vector.shape_cast %get3A_318 : vector<16xf32> to vector<16xf32>
    %max3A_320 = arith.constant 1.000000e+00 : f32
    %max3A_321 = vector.broadcast %max3A_320 : f32 to vector<16xf32>
    %max3A_322 = arith.maximumf %get3A_319, %max3A_321 : vector<16xf32>
    %div3A_323 = arith.constant 1.000000e+00 : f32
    %div3A_324 = vector.broadcast %div3A_323 : f32 to vector<16xf32>
    %div3A_325 = arith.divf %div3A_324, %max3A_322 : vector<16xf32>
    %swap3A_326 = arith.constant 384 : index
    %swap3A_327 = tpu.vector_load %arg21[%swap3A_326] {strides = array<i32>} : memref<640xf32, #tpu.memory_space<vmem>>, vector<16xf32>,
    %swap3A_328 = vector.shape_cast %swap3A_327 : vector<16xf32> to vector<16xf32>
    %swap3A_329 = vector.shape_cast %div3A_325 : vector<16xf32> to vector<16xf32>
    tpu.vector_store %arg21[%swap3A_326], %swap3A_329 {strides = array<i32>} : memref<640xf32, #tpu.memory_space<vmem>>, vector<16xf32>,
    %get3A_330 = arith.constant 400 : index
    %get3A_331 = tpu.vector_load %arg20[%get3A_330] {strides = array<i32>} : memref<640xf32, #tpu.memory_space<vmem>>, vector<16xf32>,
    %get3A_332 = vector.shape_cast %get3A_331 : vector<16xf32> to vector<16xf32>
    %max3A_333 = arith.constant 1.000000e+00 : f32
    %max3A_334 = vector.broadcast %max3A_333 : f32 to vector<16xf32>
    %max3A_335 = arith.maximumf %get3A_332, %max3A_334 : vector<16xf32>
    %div3A_336 = arith.constant 1.000000e+00 : f32
    %div3A_337 = vector.broadcast %div3A_336 : f32 to vector<16xf32>
    %div3A_338 = arith.divf %div3A_337, %max3A_335 : vector<16xf32>
    %swap3A_339 = arith.constant 400 : index
    %swap3A_340 = tpu.vector_load %arg21[%swap3A_339] {strides = array<i32>} : memref<640xf32, #tpu.memory_space<vmem>>, vector<16xf32>,
    %swap3A_341 = vector.shape_cast %swap3A_340 : vector<16xf32> to vector<16xf32>
    %swap3A_342 = vector.shape_cast %div3A_338 : vector<16xf32> to vector<16xf32>
    tpu.vector_store %arg21[%swap3A_339], %swap3A_342 {strides = array<i32>} : memref<640xf32, #tpu.memory_space<vmem>>, vector<16xf32>,
    %get3A_343 = arith.constant 416 : index
    %get3A_344 = tpu.vector_load %arg20[%get3A_343] {strides = array<i32>} : memref<640xf32, #tpu.memory_space<vmem>>, vector<16xf32>,
    %get3A_345 = vector.shape_cast %get3A_344 : vector<16xf32> to vector<16xf32>
    %max3A_346 = arith.constant 1.000000e+00 : f32
    %max3A_347 = vector.broadcast %max3A_346 : f32 to vector<16xf32>
    %max3A_348 = arith.maximumf %get3A_345, %max3A_347 : vector<16xf32>
    %div3A_349 = arith.constant 1.000000e+00 : f32
    %div3A_350 = vector.broadcast %div3A_349 : f32 to vector<16xf32>
    %div3A_351 = arith.divf %div3A_350, %max3A_348 : vector<16xf32>
    %swap3A_352 = arith.constant 416 : index
    %swap3A_353 = tpu.vector_load %arg21[%swap3A_352] {strides = array<i32>} : memref<640xf32, #tpu.memory_space<vmem>>, vector<16xf32>,
    %swap3A_354 = vector.shape_cast %swap3A_353 : vector<16xf32> to vector<16xf32>
    %swap3A_355 = vector.shape_cast %div3A_351 : vector<16xf32> to vector<16xf32>
    tpu.vector_store %arg21[%swap3A_352], %swap3A_355 {strides = array<i32>} : memref<640xf32, #tpu.memory_space<vmem>>, vector<16xf32>,
    %get3A_356 = arith.constant 432 : index
    %get3A_357 = tpu.vector_load %arg20[%get3A_356] {strides = array<i32>} : memref<640xf32, #tpu.memory_space<vmem>>, vector<16xf32>,
    %get3A_358 = vector.shape_cast %get3A_357 : vector<16xf32> to vector<16xf32>
    %max3A_359 = arith.constant 1.000000e+00 : f32
    %max3A_360 = vector.broadcast %max3A_359 : f32 to vector<16xf32>
    %max3A_361 = arith.maximumf %get3A_358, %max3A_360 : vector<16xf32>
    %div3A_362 = arith.constant 1.000000e+00 : f32
    %div3A_363 = vector.broadcast %div3A_362 : f32 to vector<16xf32>
    %div3A_364 = arith.divf %div3A_363, %max3A_361 : vector<16xf32>
    %swap3A_365 = arith.constant 432 : index
    %swap3A_366 = tpu.vector_load %arg21[%swap3A_365] {strides = array<i32>} : memref<640xf32, #tpu.memory_space<vmem>>, vector<16xf32>,
    %swap3A_367 = vector.shape_cast %swap3A_366 : vector<16xf32> to vector<16xf32>
    %swap3A_368 = vector.shape_cast %div3A_364 : vector<16xf32> to vector<16xf32>
    tpu.vector_store %arg21[%swap3A_365], %swap3A_368 {strides = array<i32>} : memref<640xf32, #tpu.memory_space<vmem>>, vector<16xf32>,
    %get3A_369 = arith.constant 448 : index
    %get3A_370 = tpu.vector_load %arg20[%get3A_369] {strides = array<i32>} : memref<640xf32, #tpu.memory_space<vmem>>, vector<16xf32>,
    %get3A_371 = vector.shape_cast %get3A_370 : vector<16xf32> to vector<16xf32>
    %max3A_372 = arith.constant 1.000000e+00 : f32
    %max3A_373 = vector.broadcast %max3A_372 : f32 to vector<16xf32>
    %max3A_374 = arith.maximumf %get3A_371, %max3A_373 : vector<16xf32>
    %div3A_375 = arith.constant 1.000000e+00 : f32
    %div3A_376 = vector.broadcast %div3A_375 : f32 to vector<16xf32>
    %div3A_377 = arith.divf %div3A_376, %max3A_374 : vector<16xf32>
    %swap3A_378 = arith.constant 448 : index
    %swap3A_379 = tpu.vector_load %arg21[%swap3A_378] {strides = array<i32>} : memref<640xf32, #tpu.memory_space<vmem>>, vector<16xf32>,
    %swap3A_380 = vector.shape_cast %swap3A_379 : vector<16xf32> to vector<16xf32>
    %swap3A_381 = vector.shape_cast %div3A_377 : vector<16xf32> to vector<16xf32>
    tpu.vector_store %arg21[%swap3A_378], %swap3A_381 {strides = array<i32>} : memref<640xf32, #tpu.memory_space<vmem>>, vector<16xf32>,
    %get3A_382 = arith.constant 464 : index
    %get3A_383 = tpu.vector_load %arg20[%get3A_382] {strides = array<i32>} : memref<640xf32, #tpu.memory_space<vmem>>, vector<16xf32>,
    %get3A_384 = vector.shape_cast %get3A_383 : vector<16xf32> to vector<16xf32>
    %max3A_385 = arith.constant 1.000000e+00 : f32
    %max3A_386 = vector.broadcast %max3A_385 : f32 to vector<16xf32>
    %max3A_387 = arith.maximumf %get3A_384, %max3A_386 : vector<16xf32>
    %div3A_388 = arith.constant 1.000000e+00 : f32
    %div3A_389 = vector.broadcast %div3A_388 : f32 to vector<16xf32>
    %div3A_390 = arith.divf %div3A_389, %max3A_387 : vector<16xf32>
    %swap3A_391 = arith.constant 464 : index
    %swap3A_392 = tpu.vector_load %arg21[%swap3A_391] {strides = array<i32>} : memref<640xf32, #tpu.memory_space<vmem>>, vector<16xf32>,
    %swap3A_393 = vector.shape_cast %swap3A_392 : vector<16xf32> to vector<16xf32>
    %swap3A_394 = vector.shape_cast %div3A_390 : vector<16xf32> to vector<16xf32>
    tpu.vector_store %arg21[%swap3A_391], %swap3A_394 {strides = array<i32>} : memref<640xf32, #tpu.memory_space<vmem>>, vector<16xf32>,
    %get3A_395 = arith.constant 480 : index
    %get3A_396 = tpu.vector_load %arg20[%get3A_395] {strides = array<i32>} : memref<640xf32, #tpu.memory_space<vmem>>, vector<16xf32>,
    %get3A_397 = vector.shape_cast %get3A_396 : vector<16xf32> to vector<16xf32>
    %max3A_398 = arith.constant 1.000000e+00 : f32
    %max3A_399 = vector.broadcast %max3A_398 : f32 to vector<16xf32>
    %max3A_400 = arith.maximumf %get3A_397, %max3A_399 : vector<16xf32>
    %div3A_401 = arith.constant 1.000000e+00 : f32
    %div3A_402 = vector.broadcast %div3A_401 : f32 to vector<16xf32>
    %div3A_403 = arith.divf %div3A_402, %max3A_400 : vector<16xf32>
    %swap3A_404 = arith.constant 480 : index
    %swap3A_405 = tpu.vector_load %arg21[%swap3A_404] {strides = array<i32>} : memref<640xf32, #tpu.memory_space<vmem>>, vector<16xf32>,
    %swap3A_406 = vector.shape_cast %swap3A_405 : vector<16xf32> to vector<16xf32>
    %swap3A_407 = vector.shape_cast %div3A_403 : vector<16xf32> to vector<16xf32>
    tpu.vector_store %arg21[%swap3A_404], %swap3A_407 {strides = array<i32>} : memref<640xf32, #tpu.memory_space<vmem>>, vector<16xf32>,
    %get3A_408 = arith.constant 496 : index
    %get3A_409 = tpu.vector_load %arg20[%get3A_408] {strides = array<i32>} : memref<640xf32, #tpu.memory_space<vmem>>, vector<16xf32>,
    %get3A_410 = vector.shape_cast %get3A_409 : vector<16xf32> to vector<16xf32>
    %max3A_411 = arith.constant 1.000000e+00 : f32
    %max3A_412 = vector.broadcast %max3A_411 : f32 to vector<16xf32>
    %max3A_413 = arith.maximumf %get3A_410, %max3A_412 : vector<16xf32>
    %div3A_414 = arith.constant 1.000000e+00 : f32
    %div3A_415 = vector.broadcast %div3A_414 : f32 to vector<16xf32>
    %div3A_416 = arith.divf %div3A_415, %max3A_413 : vector<16xf32>
    %swap3A_417 = arith.constant 496 : index
    %swap3A_418 = tpu.vector_load %arg21[%swap3A_417] {strides = array<i32>} : memref<640xf32, #tpu.memory_space<vmem>>, vector<16xf32>,
    %swap3A_419 = vector.shape_cast %swap3A_418 : vector<16xf32> to vector<16xf32>
    %swap3A_420 = vector.shape_cast %div3A_416 : vector<16xf32> to vector<16xf32>
    tpu.vector_store %arg21[%swap3A_417], %swap3A_420 {strides = array<i32>} : memref<640xf32, #tpu.memory_space<vmem>>, vector<16xf32>,
    %get3A_421 = arith.constant 512 : index
    %get3A_422 = tpu.vector_load %arg20[%get3A_421] {strides = array<i32>} : memref<640xf32, #tpu.memory_space<vmem>>, vector<16xf32>,
    %get3A_423 = vector.shape_cast %get3A_422 : vector<16xf32> to vector<16xf32>
    %max3A_424 = arith.constant 1.000000e+00 : f32
    %max3A_425 = vector.broadcast %max3A_424 : f32 to vector<16xf32>
    %max3A_426 = arith.maximumf %get3A_423, %max3A_425 : vector<16xf32>
    %div3A_427 = arith.constant 1.000000e+00 : f32
    %div3A_428 = vector.broadcast %div3A_427 : f32 to vector<16xf32>
    %div3A_429 = arith.divf %div3A_428, %max3A_426 : vector<16xf32>
    %swap3A_430 = arith.constant 512 : index
    %swap3A_431 = tpu.vector_load %arg21[%swap3A_430] {strides = array<i32>} : memref<640xf32, #tpu.memory_space<vmem>>, vector<16xf32>,
    %swap3A_432 = vector.shape_cast %swap3A_431 : vector<16xf32> to vector<16xf32>
    %swap3A_433 = vector.shape_cast %div3A_429 : vector<16xf32> to vector<16xf32>
    tpu.vector_store %arg21[%swap3A_430], %swap3A_433 {strides = array<i32>} : memref<640xf32, #tpu.memory_space<vmem>>, vector<16xf32>,
    %get3A_434 = arith.constant 528 : index
    %get3A_435 = tpu.vector_load %arg20[%get3A_434] {strides = array<i32>} : memref<640xf32, #tpu.memory_space<vmem>>, vector<16xf32>,
    %get3A_436 = vector.shape_cast %get3A_435 : vector<16xf32> to vector<16xf32>
    %max3A_437 = arith.constant 1.000000e+00 : f32
    %max3A_438 = vector.broadcast %max3A_437 : f32 to vector<16xf32>
    %max3A_439 = arith.maximumf %get3A_436, %max3A_438 : vector<16xf32>
    %div3A_440 = arith.constant 1.000000e+00 : f32
    %div3A_441 = vector.broadcast %div3A_440 : f32 to vector<16xf32>
    %div3A_442 = arith.divf %div3A_441, %max3A_439 : vector<16xf32>
    %swap3A_443 = arith.constant 528 : index
    %swap3A_444 = tpu.vector_load %arg21[%swap3A_443] {strides = array<i32>} : memref<640xf32, #tpu.memory_space<vmem>>, vector<16xf32>,
    %swap3A_445 = vector.shape_cast %swap3A_444 : vector<16xf32> to vector<16xf32>
    %swap3A_446 = vector.shape_cast %div3A_442 : vector<16xf32> to vector<16xf32>
    tpu.vector_store %arg21[%swap3A_443], %swap3A_446 {strides = array<i32>} : memref<640xf32, #tpu.memory_space<vmem>>, vector<16xf32>,
    %get3A_447 = arith.constant 544 : index
    %get3A_448 = tpu.vector_load %arg20[%get3A_447] {strides = array<i32>} : memref<640xf32, #tpu.memory_space<vmem>>, vector<16xf32>,
    %get3A_449 = vector.shape_cast %get3A_448 : vector<16xf32> to vector<16xf32>
    %max3A_450 = arith.constant 1.000000e+00 : f32
    %max3A_451 = vector.broadcast %max3A_450 : f32 to vector<16xf32>
    %max3A_452 = arith.maximumf %get3A_449, %max3A_451 : vector<16xf32>
    %div3A_453 = arith.constant 1.000000e+00 : f32
    %div3A_454 = vector.broadcast %div3A_453 : f32 to vector<16xf32>
    %div3A_455 = arith.divf %div3A_454, %max3A_452 : vector<16xf32>
    %swap3A_456 = arith.constant 544 : index
    %swap3A_457 = tpu.vector_load %arg21[%swap3A_456] {strides = array<i32>} : memref<640xf32, #tpu.memory_space<vmem>>, vector<16xf32>,
    %swap3A_458 = vector.shape_cast %swap3A_457 : vector<16xf32> to vector<16xf32>
    %swap3A_459 = vector.shape_cast %div3A_455 : vector<16xf32> to vector<16xf32>
    tpu.vector_store %arg21[%swap3A_456], %swap3A_459 {strides = array<i32>} : memref<640xf32, #tpu.memory_space<vmem>>, vector<16xf32>,
    %get3A_460 = arith.constant 560 : index
    %get3A_461 = tpu.vector_load %arg20[%get3A_460] {strides = array<i32>} : memref<640xf32, #tpu.memory_space<vmem>>, vector<16xf32>,
    %get3A_462 = vector.shape_cast %get3A_461 : vector<16xf32> to vector<16xf32>
    %max3A_463 = arith.constant 1.000000e+00 : f32
    %max3A_464 = vector.broadcast %max3A_463 : f32 to vector<16xf32>
    %max3A_465 = arith.maximumf %get3A_462, %max3A_464 : vector<16xf32>
    %div3A_466 = arith.constant 1.000000e+00 : f32
    %div3A_467 = vector.broadcast %div3A_466 : f32 to vector<16xf32>
    %div3A_468 = arith.divf %div3A_467, %max3A_465 : vector<16xf32>
    %swap3A_469 = arith.constant 560 : index
    %swap3A_470 = tpu.vector_load %arg21[%swap3A_469] {strides = array<i32>} : memref<640xf32, #tpu.memory_space<vmem>>, vector<16xf32>,
    %swap3A_471 = vector.shape_cast %swap3A_470 : vector<16xf32> to vector<16xf32>
    %swap3A_472 = vector.shape_cast %div3A_468 : vector<16xf32> to vector<16xf32>
    tpu.vector_store %arg21[%swap3A_469], %swap3A_472 {strides = array<i32>} : memref<640xf32, #tpu.memory_space<vmem>>, vector<16xf32>,
    %get3A_473 = arith.constant 576 : index
    %get3A_474 = tpu.vector_load %arg20[%get3A_473] {strides = array<i32>} : memref<640xf32, #tpu.memory_space<vmem>>, vector<16xf32>,
    %get3A_475 = vector.shape_cast %get3A_474 : vector<16xf32> to vector<16xf32>
    %max3A_476 = arith.constant 1.000000e+00 : f32
    %max3A_477 = vector.broadcast %max3A_476 : f32 to vector<16xf32>
    %max3A_478 = arith.maximumf %get3A_475, %max3A_477 : vector<16xf32>
    %div3A_479 = arith.constant 1.000000e+00 : f32
    %div3A_480 = vector.broadcast %div3A_479 : f32 to vector<16xf32>
    %div3A_481 = arith.divf %div3A_480, %max3A_478 : vector<16xf32>
    %swap3A_482 = arith.constant 576 : index
    %swap3A_483 = tpu.vector_load %arg21[%swap3A_482] {strides = array<i32>} : memref<640xf32, #tpu.memory_space<vmem>>, vector<16xf32>,
    %swap3A_484 = vector.shape_cast %swap3A_483 : vector<16xf32> to vector<16xf32>
    %swap3A_485 = vector.shape_cast %div3A_481 : vector<16xf32> to vector<16xf32>
    tpu.vector_store %arg21[%swap3A_482], %swap3A_485 {strides = array<i32>} : memref<640xf32, #tpu.memory_space<vmem>>, vector<16xf32>,
    %get3A_486 = arith.constant 592 : index
    %get3A_487 = tpu.vector_load %arg20[%get3A_486] {strides = array<i32>} : memref<640xf32, #tpu.memory_space<vmem>>, vector<16xf32>,
    %get3A_488 = vector.shape_cast %get3A_487 : vector<16xf32> to vector<16xf32>
    %max3A_489 = arith.constant 1.000000e+00 : f32
    %max3A_490 = vector.broadcast %max3A_489 : f32 to vector<16xf32>
    %max3A_491 = arith.maximumf %get3A_488, %max3A_490 : vector<16xf32>
    %div3A_492 = arith.constant 1.000000e+00 : f32
    %div3A_493 = vector.broadcast %div3A_492 : f32 to vector<16xf32>
    %div3A_494 = arith.divf %div3A_493, %max3A_491 : vector<16xf32>
    %swap3A_495 = arith.constant 592 : index
    %swap3A_496 = tpu.vector_load %arg21[%swap3A_495] {strides = array<i32>} : memref<640xf32, #tpu.memory_space<vmem>>, vector<16xf32>,
    %swap3A_497 = vector.shape_cast %swap3A_496 : vector<16xf32> to vector<16xf32>
    %swap3A_498 = vector.shape_cast %div3A_494 : vector<16xf32> to vector<16xf32>
    tpu.vector_store %arg21[%swap3A_495], %swap3A_498 {strides = array<i32>} : memref<640xf32, #tpu.memory_space<vmem>>, vector<16xf32>,
    %get3A_499 = arith.constant 608 : index
    %get3A_500 = tpu.vector_load %arg20[%get3A_499] {strides = array<i32>} : memref<640xf32, #tpu.memory_space<vmem>>, vector<16xf32>,
    %get3A_501 = vector.shape_cast %get3A_500 : vector<16xf32> to vector<16xf32>
    %max3A_502 = arith.constant 1.000000e+00 : f32
    %max3A_503 = vector.broadcast %max3A_502 : f32 to vector<16xf32>
    %max3A_504 = arith.maximumf %get3A_501, %max3A_503 : vector<16xf32>
    %div3A_505 = arith.constant 1.000000e+00 : f32
    %div3A_506 = vector.broadcast %div3A_505 : f32 to vector<16xf32>
    %div3A_507 = arith.divf %div3A_506, %max3A_504 : vector<16xf32>
    %swap3A_508 = arith.constant 608 : index
    %swap3A_509 = tpu.vector_load %arg21[%swap3A_508] {strides = array<i32>} : memref<640xf32, #tpu.memory_space<vmem>>, vector<16xf32>,
    %swap3A_510 = vector.shape_cast %swap3A_509 : vector<16xf32> to vector<16xf32>
    %swap3A_511 = vector.shape_cast %div3A_507 : vector<16xf32> to vector<16xf32>
    tpu.vector_store %arg21[%swap3A_508], %swap3A_511 {strides = array<i32>} : memref<640xf32, #tpu.memory_space<vmem>>, vector<16xf32>,
    %get3A_512 = arith.constant 624 : index
    %get3A_513 = tpu.vector_load %arg20[%get3A_512] {strides = array<i32>} : memref<640xf32, #tpu.memory_space<vmem>>, vector<16xf32>,
    %get3A_514 = vector.shape_cast %get3A_513 : vector<16xf32> to vector<16xf32>
    %max3A_515 = arith.constant 1.000000e+00 : f32
    %max3A_516 = vector.broadcast %max3A_515 : f32 to vector<16xf32>
    %max3A_517 = arith.maximumf %get3A_514, %max3A_516 : vector<16xf32>
    %div3A_518 = arith.constant 1.000000e+00 : f32
    %div3A_519 = vector.broadcast %div3A_518 : f32 to vector<16xf32>
    %div3A_520 = arith.divf %div3A_519, %max3A_517 : vector<16xf32>
    %swap3A_521 = arith.constant 624 : index
    %swap3A_522 = tpu.vector_load %arg21[%swap3A_521] {strides = array<i32>} : memref<640xf32, #tpu.memory_space<vmem>>, vector<16xf32>,
    %swap3A_523 = vector.shape_cast %swap3A_522 : vector<16xf32> to vector<16xf32>
    %swap3A_524 = vector.shape_cast %div3A_520 : vector<16xf32> to vector<16xf32>
    tpu.vector_store %arg21[%swap3A_521], %swap3A_524 {strides = array<i32>} : memref<640xf32, #tpu.memory_space<vmem>>, vector<16xf32>,
    "tpu.region"() ({
      %run_scoped3A = tpu.sem_alloc : memref<!tpu.dma_semaphore, #tpu.memory_space<semaphore_mem>>
      %dma_start3A = tpu.memref_slice %arg13[%mul3A_2] : memref<10240xf32, #tpu.memory_space<vmem_shared>> -> memref<640xf32, #tpu.memory_space<vmem_shared>>
      %dma_start3A_533 = tpu.memref_slice %arg13[%mul3A_2] : memref<10240xf32, #tpu.memory_space<vmem_shared>> -> memref<640xf32, #tpu.memory_space<vmem_shared>>
      tpu.enqueue_dma source(%arg21 : memref<640xf32, #tpu.memory_space<vmem>>) target(%dma_start3A_533 : memref<640xf32, #tpu.memory_space<vmem_shared>>) target_semaphore(%run_scoped3A : memref<!tpu.dma_semaphore, #tpu.memory_space<semaphore_mem>>)
      %dma_wait3A = tpu.memref_slice %arg13[%mul3A_2] : memref<10240xf32, #tpu.memory_space<vmem_shared>> -> memref<640xf32, #tpu.memory_space<vmem_shared>>
      %dma_wait3A_534 = tpu.memref_slice %arg13[%mul3A_2] : memref<10240xf32, #tpu.memory_space<vmem_shared>> -> memref<640xf32, #tpu.memory_space<vmem_shared>>
      tpu.wait_dma2 semaphore(%run_scoped3A : memref<!tpu.dma_semaphore, #tpu.memory_space<semaphore_mem>>) src(%arg21 : memref<640xf32, #tpu.memory_space<vmem>>) dst(%dma_wait3A_534 : memref<640xf32, #tpu.memory_space<vmem_shared>>)
      tpu.yield
    }) : () -> ()
    "tpu.region"() ({
      %run_scoped3A = tpu.sem_alloc : memref<!tpu.dma_semaphore, #tpu.memory_space<semaphore_mem>>
      %dma_start3A = tpu.memref_slice %arg10[%arg0, %mul3A_2] : memref<2x10240xf32, #tpu.memory_space<hbm>> -> memref<1x640xf32, #tpu.memory_space<hbm>>
      %dma_start3A_533 = tpu.memref_squeeze %dma_start3A : memref<1x640xf32, #tpu.memory_space<hbm>> -> memref<640xf32, #tpu.memory_space<hbm>>
      %dma_start3A_534 = tpu.memref_slice %arg10[%arg0, %mul3A_2] : memref<2x10240xf32, #tpu.memory_space<hbm>> -> memref<1x640xf32, #tpu.memory_space<hbm>>
      %dma_start3A_535 = tpu.memref_squeeze %dma_start3A_534 : memref<1x640xf32, #tpu.memory_space<hbm>> -> memref<640xf32, #tpu.memory_space<hbm>>
      tpu.enqueue_dma source(%arg21 : memref<640xf32, #tpu.memory_space<vmem>>) target(%dma_start3A_535 : memref<640xf32, #tpu.memory_space<hbm>>) target_semaphore(%run_scoped3A : memref<!tpu.dma_semaphore, #tpu.memory_space<semaphore_mem>>)
      %dma_wait3A = tpu.memref_slice %arg10[%arg0, %mul3A_2] : memref<2x10240xf32, #tpu.memory_space<hbm>> -> memref<1x640xf32, #tpu.memory_space<hbm>>
      %dma_wait3A_536 = tpu.memref_squeeze %dma_wait3A : memref<1x640xf32, #tpu.memory_space<hbm>> -> memref<640xf32, #tpu.memory_space<hbm>>
      %dma_wait3A_537 = tpu.memref_slice %arg10[%arg0, %mul3A_2] : memref<2x10240xf32, #tpu.memory_space<hbm>> -> memref<1x640xf32, #tpu.memory_space<hbm>>
      %dma_wait3A_538 = tpu.memref_squeeze %dma_wait3A_537 : memref<1x640xf32, #tpu.memory_space<hbm>> -> memref<640xf32, #tpu.memory_space<hbm>>
      tpu.wait_dma2 semaphore(%run_scoped3A : memref<!tpu.dma_semaphore, #tpu.memory_space<semaphore_mem>>) src(%arg21 : memref<640xf32, #tpu.memory_space<vmem>>) dst(%dma_wait3A_538 : memref<640xf32, #tpu.memory_space<hbm>>)
      tpu.yield
    }) : () -> ()
    %barrier3A_525 = arith.constant 0 : index
    tpu.barrier barrier_id(%barrier3A_525)
    %scan3A_526 = arith.constant 0 : i32
    %scan3A_527 = arith.constant 0 : i32
    %scan3A_528 = arith.constant 79 : i32
    %scan3A_529 = arith.addi %scan3A_527, %scan3A_528 : i32
    %scan3A_530 = arith.constant 1 : i32
    scf.for %scan3A_533 = %scan3A_527 to %scan3A_529 step %scan3A_530  : i32 {
      %mul3A_534 = arith.constant 32 : i32
      %mul3A_535 = arith.muli %mul3A_534, %scan3A_533 : i32
      %add3A_536 = arith.addi %add3A, %mul3A_535 : i32
      %lt3A = arith.constant 2500 : i32
      %lt3A_537 = arith.cmpi slt, %add3A_536, %lt3A : i32
      %convert_element_type3A = arith.extui %lt3A_537 : i1 to i32
      %cond3A = arith.constant 0 : i32
      %cond3A_538 = arith.cmpi ne, %convert_element_type3A, %cond3A : i32
      scf.if %cond3A_538 {
        %mul3A_539 = arith.constant 128 : i32
        %mul3A_540 = arith.muli %add3A_536, %mul3A_539 : i32
        "tpu.region"() ({
          %run_scoped3A = tpu.sem_alloc : memref<!tpu.dma_semaphore, #tpu.memory_space<semaphore_mem>>
          %dma_start3A = tpu.memref_slice %arg3[%mul3A_540] : memref<320000xi32, #tpu.memory_space<hbm>> -> memref<128xi32, #tpu.memory_space<hbm>>
          %dma_start3A_541 = tpu.memref_slice %arg3[%mul3A_540] : memref<320000xi32, #tpu.memory_space<hbm>> -> memref<128xi32, #tpu.memory_space<hbm>>
          tpu.enqueue_dma source(%dma_start3A_541 : memref<128xi32, #tpu.memory_space<hbm>>) target(%arg15 : memref<128xi32, #tpu.memory_space<vmem>>) target_semaphore(%run_scoped3A : memref<!tpu.dma_semaphore, #tpu.memory_space<semaphore_mem>>)
          %dma_wait3A = tpu.memref_slice %arg3[%mul3A_540] : memref<320000xi32, #tpu.memory_space<hbm>> -> memref<128xi32, #tpu.memory_space<hbm>>
          %dma_wait3A_542 = tpu.memref_slice %arg3[%mul3A_540] : memref<320000xi32, #tpu.memory_space<hbm>> -> memref<128xi32, #tpu.memory_space<hbm>>
          tpu.wait_dma2 semaphore(%run_scoped3A : memref<!tpu.dma_semaphore, #tpu.memory_space<semaphore_mem>>) src(%dma_wait3A_542 : memref<128xi32, #tpu.memory_space<hbm>>) dst(%arg15 : memref<128xi32, #tpu.memory_space<vmem>>)
          tpu.yield
        }) : () -> ()
        "tpu.region"() ({
          %run_scoped3A = tpu.sem_alloc : memref<!tpu.dma_semaphore, #tpu.memory_space<semaphore_mem>>
          %dma_start3A = tpu.memref_slice %arg2[%mul3A_540] : memref<320000xi32, #tpu.memory_space<hbm>> -> memref<128xi32, #tpu.memory_space<hbm>>
          %dma_start3A_541 = tpu.memref_slice %arg2[%mul3A_540] : memref<320000xi32, #tpu.memory_space<hbm>> -> memref<128xi32, #tpu.memory_space<hbm>>
          tpu.enqueue_dma source(%dma_start3A_541 : memref<128xi32, #tpu.memory_space<hbm>>) target(%arg16 : memref<128xi32, #tpu.memory_space<vmem>>) target_semaphore(%run_scoped3A : memref<!tpu.dma_semaphore, #tpu.memory_space<semaphore_mem>>)
          %dma_wait3A = tpu.memref_slice %arg2[%mul3A_540] : memref<320000xi32, #tpu.memory_space<hbm>> -> memref<128xi32, #tpu.memory_space<hbm>>
          %dma_wait3A_542 = tpu.memref_slice %arg2[%mul3A_540] : memref<320000xi32, #tpu.memory_space<hbm>> -> memref<128xi32, #tpu.memory_space<hbm>>
          tpu.wait_dma2 semaphore(%run_scoped3A : memref<!tpu.dma_semaphore, #tpu.memory_space<semaphore_mem>>) src(%dma_wait3A_542 : memref<128xi32, #tpu.memory_space<hbm>>) dst(%arg16 : memref<128xi32, #tpu.memory_space<vmem>>)
          tpu.yield
        }) : () -> ()
        "tpu.region"() ({
          %run_scoped3A = tpu.sem_alloc : memref<!tpu.dma_semaphore, #tpu.memory_space<semaphore_mem>>
          %dma_start3A = arith.constant 0 : i32
          %dma_start3A_541 = arith.constant 0 : i32
          %dma_start3A_542 = tpu.memref_slice %arg4[%dma_start3A, %dma_start3A_541] : memref<10000x128xf32, #tpu.memory_space<hbm>> -> memref<10000x128xf32, #tpu.memory_space<hbm>>
          tpu.enqueue_indirect_dma source(%dma_start3A_542 : memref<10000x128xf32, #tpu.memory_space<hbm>>) target(%arg17 : memref<128x128xf32, #tpu.memory_space<vmem>>) offsets(%arg16 : memref<128xi32, #tpu.memory_space<vmem>>) semaphore(%run_scoped3A : memref<!tpu.dma_semaphore, #tpu.memory_space<semaphore_mem>>)
          %dma_wait3A = arith.constant 0 : i32
          %dma_wait3A_543 = arith.constant 0 : i32
          %dma_wait3A_544 = tpu.memref_slice %arg4[%dma_wait3A, %dma_wait3A_543] : memref<10000x128xf32, #tpu.memory_space<hbm>> -> memref<10000x128xf32, #tpu.memory_space<hbm>>
          tpu.wait_indirect_dma semaphore(%run_scoped3A : memref<!tpu.dma_semaphore, #tpu.memory_space<semaphore_mem>>) src(%dma_wait3A_544 : memref<10000x128xf32, #tpu.memory_space<hbm>>) dst(%arg17 : memref<128x128xf32, #tpu.memory_space<vmem>>)
          tpu.yield
        }) : () -> ()
        "tpu.region"() ({
          %run_scoped3A = tpu.sem_alloc : memref<!tpu.dma_semaphore, #tpu.memory_space<semaphore_mem>>
          %dma_start3A = arith.constant 0 : i32
          %dma_start3A_541 = arith.constant 0 : i32
          %dma_start3A_542 = tpu.memref_slice %arg11[%dma_start3A, %dma_start3A_541] : memref<10240x128xf32, #tpu.memory_space<vmem_shared>> -> memref<10240x128xf32, #tpu.memory_space<vmem_shared>>
          tpu.enqueue_indirect_dma source(%arg17 : memref<128x128xf32, #tpu.memory_space<vmem>>) target(%dma_start3A_542 : memref<10240x128xf32, #tpu.memory_space<vmem_shared>>) offsets(%arg15 : memref<128xi32, #tpu.memory_space<vmem>>) semaphore(%run_scoped3A : memref<!tpu.dma_semaphore, #tpu.memory_space<semaphore_mem>>) {add = true}
          %dma_wait3A = arith.constant 0 : i32
          %dma_wait3A_543 = arith.constant 0 : i32
          %dma_wait3A_544 = tpu.memref_slice %arg11[%dma_wait3A, %dma_wait3A_543] : memref<10240x128xf32, #tpu.memory_space<vmem_shared>> -> memref<10240x128xf32, #tpu.memory_space<vmem_shared>>
          tpu.wait_indirect_dma semaphore(%run_scoped3A : memref<!tpu.dma_semaphore, #tpu.memory_space<semaphore_mem>>) src(%arg17 : memref<128x128xf32, #tpu.memory_space<vmem>>) dst(%dma_wait3A_544 : memref<10240x128xf32, #tpu.memory_space<vmem_shared>>)
          tpu.yield
        }) : () -> ()
        "tpu.region"() ({
          %run_scoped3A = tpu.sem_alloc : memref<!tpu.dma_semaphore, #tpu.memory_space<semaphore_mem>>
          %dma_start3A = arith.constant 0 : i32
          %dma_start3A_541 = tpu.memref_slice %arg13[%dma_start3A] : memref<10240xf32, #tpu.memory_space<vmem_shared>> -> memref<10240xf32, #tpu.memory_space<vmem_shared>>
          tpu.enqueue_indirect_dma source(%dma_start3A_541 : memref<10240xf32, #tpu.memory_space<vmem_shared>>) target(%arg19 : memref<128xf32, #tpu.memory_space<vmem>>) offsets(%arg15 : memref<128xi32, #tpu.memory_space<vmem>>) semaphore(%run_scoped3A : memref<!tpu.dma_semaphore, #tpu.memory_space<semaphore_mem>>)
          %dma_wait3A = arith.constant 0 : i32
          %dma_wait3A_542 = tpu.memref_slice %arg13[%dma_wait3A] : memref<10240xf32, #tpu.memory_space<vmem_shared>> -> memref<10240xf32, #tpu.memory_space<vmem_shared>>
          tpu.wait_indirect_dma semaphore(%run_scoped3A : memref<!tpu.dma_semaphore, #tpu.memory_space<semaphore_mem>>) src(%dma_wait3A_542 : memref<10240xf32, #tpu.memory_space<vmem_shared>>) dst(%arg19 : memref<128xf32, #tpu.memory_space<vmem>>)
          tpu.yield
        }) : () -> ()
        "tpu.region"() ({
          %run_scoped3A = tpu.sem_alloc : memref<!tpu.dma_semaphore, #tpu.memory_space<semaphore_mem>>
          %dma_start3A = arith.constant 0 : i32
          %dma_start3A_541 = tpu.memref_slice %arg14[%dma_start3A] : memref<10240xf32, #tpu.memory_space<vmem_shared>> -> memref<10240xf32, #tpu.memory_space<vmem_shared>>
          tpu.enqueue_indirect_dma source(%arg19 : memref<128xf32, #tpu.memory_space<vmem>>) target(%dma_start3A_541 : memref<10240xf32, #tpu.memory_space<vmem_shared>>) offsets(%arg16 : memref<128xi32, #tpu.memory_space<vmem>>) semaphore(%run_scoped3A : memref<!tpu.dma_semaphore, #tpu.memory_space<semaphore_mem>>) {add = true}
          %dma_wait3A = arith.constant 0 : i32
          %dma_wait3A_542 = tpu.memref_slice %arg14[%dma_wait3A] : memref<10240xf32, #tpu.memory_space<vmem_shared>> -> memref<10240xf32, #tpu.memory_space<vmem_shared>>
          tpu.wait_indirect_dma semaphore(%run_scoped3A : memref<!tpu.dma_semaphore, #tpu.memory_space<semaphore_mem>>) src(%arg19 : memref<128xf32, #tpu.memory_space<vmem>>) dst(%dma_wait3A_542 : memref<10240xf32, #tpu.memory_space<vmem_shared>>)
          tpu.yield
        }) : () -> ()
      } else {
      }
    }
    %scan3A_531 = arith.constant 79 : i32
    %barrier3A_532 = arith.constant 0 : index
    tpu.barrier barrier_id(%barrier3A_532)
    "tpu.region"() ({
      %run_scoped3A = tpu.sem_alloc : memref<!tpu.dma_semaphore, #tpu.memory_space<semaphore_mem>>
      %dma_start3A = arith.constant 0 : i32
      %dma_start3A_533 = tpu.memref_slice %arg8[%arg0, %mul3A_2, %dma_start3A] : memref<2x10240x128xf32, #tpu.memory_space<hbm>> -> memref<1x640x128xf32, #tpu.memory_space<hbm>>
      %dma_start3A_534 = tpu.memref_squeeze %dma_start3A_533 : memref<1x640x128xf32, #tpu.memory_space<hbm>> -> memref<640x128xf32, #tpu.memory_space<hbm>>
      %dma_start3A_535 = arith.constant 0 : i32
      %dma_start3A_536 = tpu.memref_slice %arg11[%mul3A_2, %dma_start3A_535] : memref<10240x128xf32, #tpu.memory_space<vmem_shared>> -> memref<640x128xf32, #tpu.memory_space<vmem_shared>>
      tpu.enqueue_dma source(%dma_start3A_536 : memref<640x128xf32, #tpu.memory_space<vmem_shared>>) target(%dma_start3A_534 : memref<640x128xf32, #tpu.memory_space<hbm>>) target_semaphore(%run_scoped3A : memref<!tpu.dma_semaphore, #tpu.memory_space<semaphore_mem>>)
      %dma_wait3A = arith.constant 0 : i32
      %dma_wait3A_537 = tpu.memref_slice %arg8[%arg0, %mul3A_2, %dma_wait3A] : memref<2x10240x128xf32, #tpu.memory_space<hbm>> -> memref<1x640x128xf32, #tpu.memory_space<hbm>>
      %dma_wait3A_538 = tpu.memref_squeeze %dma_wait3A_537 : memref<1x640x128xf32, #tpu.memory_space<hbm>> -> memref<640x128xf32, #tpu.memory_space<hbm>>
      %dma_wait3A_539 = arith.constant 0 : i32
      %dma_wait3A_540 = tpu.memref_slice %arg11[%mul3A_2, %dma_wait3A_539] : memref<10240x128xf32, #tpu.memory_space<vmem_shared>> -> memref<640x128xf32, #tpu.memory_space<vmem_shared>>
      tpu.wait_dma2 semaphore(%run_scoped3A : memref<!tpu.dma_semaphore, #tpu.memory_space<semaphore_mem>>) src(%dma_wait3A_540 : memref<640x128xf32, #tpu.memory_space<vmem_shared>>) dst(%dma_wait3A_538 : memref<640x128xf32, #tpu.memory_space<hbm>>)
      tpu.yield
    }) : () -> ()
    "tpu.region"() ({
      %run_scoped3A = tpu.sem_alloc : memref<!tpu.dma_semaphore, #tpu.memory_space<semaphore_mem>>
      %dma_start3A = tpu.memref_slice %arg9[%arg0, %mul3A_2] : memref<2x10240xf32, #tpu.memory_space<hbm>> -> memref<1x640xf32, #tpu.memory_space<hbm>>
      %dma_start3A_533 = tpu.memref_squeeze %dma_start3A : memref<1x640xf32, #tpu.memory_space<hbm>> -> memref<640xf32, #tpu.memory_space<hbm>>
      %dma_start3A_534 = tpu.memref_slice %arg14[%mul3A_2] : memref<10240xf32, #tpu.memory_space<vmem_shared>> -> memref<640xf32, #tpu.memory_space<vmem_shared>>
      tpu.enqueue_dma source(%dma_start3A_534 : memref<640xf32, #tpu.memory_space<vmem_shared>>) target(%dma_start3A_533 : memref<640xf32, #tpu.memory_space<hbm>>) target_semaphore(%run_scoped3A : memref<!tpu.dma_semaphore, #tpu.memory_space<semaphore_mem>>)
      %dma_wait3A = tpu.memref_slice %arg9[%arg0, %mul3A_2] : memref<2x10240xf32, #tpu.memory_space<hbm>> -> memref<1x640xf32, #tpu.memory_space<hbm>>
      %dma_wait3A_535 = tpu.memref_squeeze %dma_wait3A : memref<1x640xf32, #tpu.memory_space<hbm>> -> memref<640xf32, #tpu.memory_space<hbm>>
      %dma_wait3A_536 = tpu.memref_slice %arg14[%mul3A_2] : memref<10240xf32, #tpu.memory_space<vmem_shared>> -> memref<640xf32, #tpu.memory_space<vmem_shared>>
      tpu.wait_dma2 semaphore(%run_scoped3A : memref<!tpu.dma_semaphore, #tpu.memory_space<semaphore_mem>>) src(%dma_wait3A_536 : memref<640xf32, #tpu.memory_space<vmem_shared>>) dst(%dma_wait3A_535 : memref<640xf32, #tpu.memory_space<hbm>>)
      tpu.yield
    }) : () -> ()
    return
  }
}

module attributes {stable_mosaic.version = 14 : i64} {
  func.func @_tc_body(%arg0: memref<10000x128xf32, #tpu.memory_space<vmem>>, %arg1: memref<2x10240x128xf32, #tpu.memory_space<vmem>>, %arg2: memref<2x10240x1xf32, #tpu.memory_space<vmem>>, %arg3: memref<10240x1xf32, #tpu.memory_space<vmem>>, %arg4: memref<128x128xf32, #tpu.memory_space<vmem>>, %arg5: memref<1x128xf32, #tpu.memory_space<vmem>>, %arg6: memref<128x128xf32, #tpu.memory_space<vmem>>, %arg7: memref<128x16xf32, #tpu.memory_space<vmem>>, %arg8: memref<1x16xf32, #tpu.memory_space<vmem>>, %arg9: memref<128x16xf32, #tpu.memory_space<vmem>>, %arg10: memref<1x16xf32, #tpu.memory_space<vmem>>) attributes {dimension_semantics = [], scalar_prefetch = 0 : i64, scratch_operands = 0 : i64, tpu.core_type = #tpu.core_type<tc>} {
    %get3A = arith.constant 0 : index
    %get3A_0 = arith.constant 0 : index
    %get3A_1 = arith.constant 0 : index
    %get3A_2 = vector.load %arg1[%get3A, %get3A_0, %get3A_1] : memref<2x10240x128xf32, #tpu.memory_space<vmem>>, vector<1x10000x128xf32>
    %get3A_3 = vector.shape_cast %get3A_2 : vector<1x10000x128xf32> to vector<10000x128xf32>
    %get3A_4 = arith.constant 1 : index
    %get3A_5 = arith.constant 0 : index
    %get3A_6 = arith.constant 0 : index
    %get3A_7 = vector.load %arg1[%get3A_4, %get3A_5, %get3A_6] : memref<2x10240x128xf32, #tpu.memory_space<vmem>>, vector<1x10000x128xf32>
    %get3A_8 = vector.shape_cast %get3A_7 : vector<1x10000x128xf32> to vector<10000x128xf32>
    %add3A = arith.addf %get3A_3, %get3A_8 : vector<10000x128xf32>
    %get3A_9 = arith.constant 0 : index
    %get3A_10 = arith.constant 0 : index
    %get3A_11 = vector.load %arg3[%get3A_9, %get3A_10] : memref<10240x1xf32, #tpu.memory_space<vmem>>, vector<10000x1xf32>
    %mul3A = vector.broadcast %get3A_11 : vector<10000x1xf32> to vector<10000x128xf32>
    %mul3A_12 = arith.mulf %add3A, %mul3A : vector<10000x128xf32>
    %get3A_13 = arith.constant 0 : index
    %get3A_14 = arith.constant 0 : index
    %get3A_15 = vector.load %arg0[%get3A_13, %get3A_14] : memref<10000x128xf32, #tpu.memory_space<vmem>>, vector<10000x128xf32>
    %get3A_16 = arith.constant 0 : index
    %get3A_17 = arith.constant 0 : index
    %get3A_18 = vector.load %arg4[%get3A_16, %get3A_17] : memref<128x128xf32, #tpu.memory_space<vmem>>, vector<128x128xf32>
    %dot_general3A = arith.constant dense<0.000000e+00> : vector<10000x128xf32>
    %dot_general3A_19 = tpu.matmul %mul3A_12, %get3A_18, %dot_general3A {dimension_numbers = #tpu.dot_dimension_numbers<[1], [0], [0], [1], [0, 0, 1, 1], [], []>, transpose_lhs_hint = false} : vector<10000x128xf32>, vector<128x128xf32>, vector<10000x128xf32> -> vector<10000x128xf32>
    %get3A_20 = arith.constant 0 : index
    %get3A_21 = arith.constant 0 : index
    %get3A_22 = vector.load %arg6[%get3A_20, %get3A_21] : memref<128x128xf32, #tpu.memory_space<vmem>>, vector<128x128xf32>
    %dot_general3A_23 = arith.constant dense<0.000000e+00> : vector<10000x128xf32>
    %dot_general3A_24 = tpu.matmul %get3A_15, %get3A_22, %dot_general3A_23 {dimension_numbers = #tpu.dot_dimension_numbers<[1], [0], [0], [1], [0, 0, 1, 1], [], []>, transpose_lhs_hint = false} : vector<10000x128xf32>, vector<128x128xf32>, vector<10000x128xf32> -> vector<10000x128xf32>
    %add3A_25 = arith.addf %dot_general3A_19, %dot_general3A_24 : vector<10000x128xf32>
    %get3A_26 = arith.constant 0 : index
    %get3A_27 = arith.constant 0 : index
    %get3A_28 = vector.load %arg5[%get3A_26, %get3A_27] : memref<1x128xf32, #tpu.memory_space<vmem>>, vector<1x128xf32>
    %add3A_29 = vector.broadcast %get3A_28 : vector<1x128xf32> to vector<10000x128xf32>
    %add3A_30 = arith.addf %add3A_25, %add3A_29 : vector<10000x128xf32>
    %max3A = arith.constant 0.000000e+00 : f32
    %max3A_31 = vector.broadcast %max3A : f32 to vector<10000x128xf32>
    %max3A_32 = arith.maximumf %add3A_30, %max3A_31 : vector<10000x128xf32>
    %get3A_33 = arith.constant 0 : index
    %get3A_34 = arith.constant 0 : index
    %get3A_35 = arith.constant 0 : index
    %get3A_36 = vector.load %arg2[%get3A_33, %get3A_34, %get3A_35] : memref<2x10240x1xf32, #tpu.memory_space<vmem>>, vector<1x10000x1xf32>
    %get3A_37 = vector.shape_cast %get3A_36 : vector<1x10000x1xf32> to vector<10000x1xf32>
    %get3A_38 = arith.constant 1 : index
    %get3A_39 = arith.constant 0 : index
    %get3A_40 = arith.constant 0 : index
    %get3A_41 = vector.load %arg2[%get3A_38, %get3A_39, %get3A_40] : memref<2x10240x1xf32, #tpu.memory_space<vmem>>, vector<1x10000x1xf32>
    %get3A_42 = vector.shape_cast %get3A_41 : vector<1x10000x1xf32> to vector<10000x1xf32>
    %add3A_43 = arith.addf %get3A_37, %get3A_42 : vector<10000x1xf32>
    %reduce_sum3A = arith.constant dense<0.000000e+00> : vector<128xf32>
    %reduce_sum3A_44 = vector.multi_reduction <add>, %max3A_32, %reduce_sum3A [0] : vector<10000x128xf32> to vector<128xf32>
    %broadcast_in_dim3A = vector.shape_cast %reduce_sum3A_44 : vector<128xf32> to vector<1x128xf32>
    %mul3A_45 = vector.broadcast %add3A_43 : vector<10000x1xf32> to vector<10000x128xf32>
    %mul3A_46 = arith.mulf %max3A_32, %mul3A_45 : vector<10000x128xf32>
    %reduce_sum3A_47 = arith.constant dense<0.000000e+00> : vector<128xf32>
    %reduce_sum3A_48 = vector.multi_reduction <add>, %mul3A_46, %reduce_sum3A_47 [0] : vector<10000x128xf32> to vector<128xf32>
    %broadcast_in_dim3A_49 = vector.shape_cast %reduce_sum3A_48 : vector<128xf32> to vector<1x128xf32>
    %get3A_50 = arith.constant 0 : index
    %get3A_51 = arith.constant 0 : index
    %get3A_52 = vector.load %arg7[%get3A_50, %get3A_51] : memref<128x16xf32, #tpu.memory_space<vmem>>, vector<128x16xf32>
    %dot_general3A_53 = arith.constant dense<0.000000e+00> : vector<1x16xf32>
    %dot_general3A_54 = tpu.matmul %broadcast_in_dim3A_49, %get3A_52, %dot_general3A_53 {dimension_numbers = #tpu.dot_dimension_numbers<[1], [0], [0], [1], [0, 0, 1, 1], [], []>, transpose_lhs_hint = false} : vector<1x128xf32>, vector<128x16xf32>, vector<1x16xf32> -> vector<1x16xf32>
    %get3A_55 = arith.constant 0 : index
    %get3A_56 = arith.constant 0 : index
    %get3A_57 = vector.load %arg9[%get3A_55, %get3A_56] : memref<128x16xf32, #tpu.memory_space<vmem>>, vector<128x16xf32>
    %dot_general3A_58 = arith.constant dense<0.000000e+00> : vector<1x16xf32>
    %dot_general3A_59 = tpu.matmul %broadcast_in_dim3A, %get3A_57, %dot_general3A_58 {dimension_numbers = #tpu.dot_dimension_numbers<[1], [0], [0], [1], [0, 0, 1, 1], [], []>, transpose_lhs_hint = false} : vector<1x128xf32>, vector<128x16xf32>, vector<1x16xf32> -> vector<1x16xf32>
    %add3A_60 = arith.addf %dot_general3A_54, %dot_general3A_59 : vector<1x16xf32>
    %mul3A_61 = arith.constant 9.99999974E-5 : f32
    %mul3A_62 = vector.broadcast %mul3A_61 : f32 to vector<1x16xf32>
    %mul3A_63 = arith.mulf %add3A_60, %mul3A_62 : vector<1x16xf32>
    %get3A_64 = arith.constant 0 : index
    %get3A_65 = arith.constant 0 : index
    %get3A_66 = vector.load %arg8[%get3A_64, %get3A_65] : memref<1x16xf32, #tpu.memory_space<vmem>>, vector<1x16xf32>
    %add3A_67 = arith.addf %mul3A_63, %get3A_66 : vector<1x16xf32>
    %reduce_max3A = arith.constant dense<0xFF800000> : vector<1xf32>
    %reduce_max3A_68 = vector.multi_reduction <maximumf>, %add3A_67, %reduce_max3A [1] : vector<1x16xf32> to vector<1xf32>
    %broadcast_in_dim3A_69 = vector.shape_cast %reduce_max3A_68 : vector<1xf32> to vector<1x1xf32>
    %sub3A = vector.broadcast %broadcast_in_dim3A_69 : vector<1x1xf32> to vector<1x16xf32>
    %sub3A_70 = arith.subf %add3A_67, %sub3A : vector<1x16xf32>
    %exp3A = math.exp %sub3A_70 : vector<1x16xf32>
    %reduce_sum3A_71 = arith.constant dense<0.000000e+00> : vector<1xf32>
    %reduce_sum3A_72 = vector.multi_reduction <add>, %exp3A, %reduce_sum3A_71 [1] : vector<1x16xf32> to vector<1xf32>
    %broadcast_in_dim3A_73 = vector.shape_cast %reduce_sum3A_72 : vector<1xf32> to vector<1x1xf32>
    %div3A = vector.broadcast %broadcast_in_dim3A_73 : vector<1x1xf32> to vector<1x16xf32>
    %div3A_74 = arith.divf %exp3A, %div3A : vector<1x16xf32>
    %swap3A = arith.constant 0 : index
    %swap3A_75 = arith.constant 0 : index
    %swap3A_76 = vector.load %arg10[%swap3A, %swap3A_75] : memref<1x16xf32, #tpu.memory_space<vmem>>, vector<1x16xf32>
    tpu.vector_store %arg10[%swap3A, %swap3A_75], %div3A_74 {strides = array<i32>} : memref<1x16xf32, #tpu.memory_space<vmem>>, vector<1x16xf32>,
    return
  }
}

</mosaic_0001>

<sc_bundles>
// kernel: kernel.4.cloned.1.call-start
scs
__scs_entry_jumppad:
0x0: {  	(pc) =	sbr.rel $0x88, $3  }
0x1: {  	(tag) =	ssettag $0x0;
	lr =	simm.s32 $0x1  }
0x2: {  	[smem:$0x3F99] =	sst lr;
	_ =	strace $0xD0000000  }
0x3: {  	_ = 	snop  }
0x4: {  	_ = 	snop  }
0x5: {  	_ = 	snop  }
0x6: {  	_ = 	snop  }
0x7: {  	_ = 	snop  }
__scs_overlays_trampoline_lowered:
0x8: {  	[smem:$0x3FA8] =	sst s0  }
0x9: {  	[smem:$0x3FA9] =	sst s1  }
0xa: {  	[smem:$0x3FAA] =	sst s2  }
0xb: {  	[smem:$0x3FAB] =	sst s3  }
0xc: {  	[smem:$0x3FAC] =	sst s4  }
0xd: {  	[smem:$0x3FAD] =	sst s5  }
0xe: {  	[smem:$0x3FAE] =	sst s6  }
0xf: {  	[smem:$0x3FAF] =	sst s7  }
0x10: {  	[smem:$0x3FB0] =	sst s8  }
0x11: {  	[smem:$0x3FB1] =	sst s9;
	s0 =	simm.s32 @!p0 $0x0  }
0x12: {  	s1 =	sld [smem:$0x3F97];
	s0 =	simm.s32 @p0 $0x1  }
0x13: {  	[smem:$0x3FB2] =	sst s0;
	s0 =	simm.s32 @!p1 $0x0  }
0x14: {  	s2 =	sld [smem:$0x3F96];
	s0 =	simm.s32 @p1 $0x1  }
0x15: {  	[smem:$0x3FB3] =	sst s0;
	s0 =	simm.s32 @!p2 $0x0  }
0x16: {  	s3 =	sld [smem:$0x3FDB];
	s0 =	simm.s32 @p2 $0x1  }
0x17: {  	s4 =	simm.s32 $0x1BF5;
	[smem:$0x3FB5] =	sst s0  }
0x18: {  	s0 =	sld [smem:$0x3F98];
	_ =	swait.ge [sflag:s4], $0x0  }
0x19: {  	s7 =	sld [smem:$0x3F99]  }
0x1a: {  	s8 =	sadd.s32 $0xFFFFE003, lr  }
0x1b: {  	s9 =	sadd.s32 $0xFFFFFEF7, lr;
	s5 =	simm.s32 $0xFFFFFFFF;
	p2 =	slt.u32 s8, $0xFFFFF086  }
0x1c: {  	p1 =	slt.u32 s9, $0xF7A;
	s5 =	simm.s32 @!p2 $0x0  }
0x1d: {  	s5 =	simm.s32 @p1 $0x1;
	p0 =	seq.s32 s7, s2  }
0x1e: {  	s7 =	smul.u32 @!p0 $0xF7A, s2;
	p2 =	seq.s32 @!p0 s5, $0x0  }
0x1f: {  	s9 =	smul.u32 $0xF7A, s1;
	s8 =	simm.s32 @!p0 $0x1BF5;
	p2 =	por !p2, p0  }
0x20: {  	[sflag:s8] =	ssyncset.s32 @!p0 $0xFFFFF086;
	s6 =	sadd.s32 @!p0 s3, s7;
	s7 =	simm.s32 @!p0 $0x108  }
0x21: {  	s3 =	sadd.s32 s3, s9;
	s6 =	sadd.s32 @!p0 $0x88, s6;
	s7 =	simm.s32 @p2 $0x1082  }
0x22: {  	[simem:s7], [sflag:s8] =	dma.local @!p0 [hbm:s6], $0xF7A  }
0x23: {  	s9 =	sor.u32 $0xD0000000, s2;
	s6 =	simm.s32 $0x108;
	_ =	swait.ge @!p0 [sflag:s8], $0x0  }
0x24: {  	s3 =	sadd.s32 $0x88, s3;
	s6 =	simm.s32 @!p1 $0x1082;
	[sflag:s4] =	ssyncset.s32 $0xFFFFF086  }
0x25: {  	[simem:s6], [sflag:s4] =	dma.local [hbm:s3], $0xF7A  }
0x26: {  	[smem:$0x3F99] =	sst s1;
	(tag) =	ssettag s2;
	_ =	strace s9  }
0x27: {  	s1 =	sld [smem:$0x3FA9]  }
0x28: {  	s2 =	sld [smem:$0x3FAA]  }
0x29: {  	s4 =	sld [smem:$0x3FAC]  }
0x2a: {  	p0 =	seq.s32 s5, $0x0;
	s5 =	sld [smem:$0x3FAD]  }
0x2b: {  	s6 =	sld [smem:$0x3FAE]  }
0x2c: {  	s7 =	sld [smem:$0x3FAF]  }
0x2d: {  	s3 =	simm.s32 $0x108;
	s8 =	sld [smem:$0x3FB0]  }
0x2e: {  	s3 =	simm.s32 @!p0 $0x1082;
	s9 =	sld [smem:$0x3FB1]  }
0x2f: {  	lr =	sadd.s32 s0, s3;
	s0 =	sld [smem:$0x3FA8]  }
0x30: {  	s3 =	sld [smem:$0x3FAB]  }
0x31: {  	[smem:$0x3FB4] =	sst s10  }
0x32: {  	s10 =	sld [smem:$0x3FB2];
	_ =	sdelay $0x3  }
0x33: {  	p0 =	seq.s32 s10, $0x1;
	s10 =	sld [smem:$0x3FB4];
	_ =	sdelay $0x3  }
0x34: {  	[smem:$0x3FB4] =	sst s10  }
0x35: {  	s10 =	sld [smem:$0x3FB3];
	_ =	sdelay $0x3  }
0x36: {  	p1 =	seq.s32 s10, $0x1;
	s10 =	sld [smem:$0x3FB4];
	_ =	sdelay $0x3  }
0x37: {  	[smem:$0x3FB4] =	sst s10  }
0x38: {  	s10 =	sld [smem:$0x3FB5]  }
0x39: {  	_ = 	snop;
	(pc) =	sbr.ind lr, $3  }
0x3a: {  	_ = 	snop  }
0x3b: {  	_ = 	snop  }
0x3c: {  	p2 =	seq.s32 s10, $0x1;
	s10 =	sld [smem:$0x3FB4]  }
0x3d: {  	_ =	shalt  }
0x3e: {  	_ =	shalt  }
0x3f: {  	_ =	shalt  }
0x40: {  	_ =	shalt  }
0x41: {  	_ =	shalt  }
0x42: {  	_ =	shalt  }
0x43: {  	_ =	shalt  }
0x44: {  	_ =	shalt  }
0x45: {  	_ =	shalt  }
0x46: {  	_ =	shalt  }
0x47: {  	_ =	shalt  }
0x48: {  	_ =	shalt  }
0x49: {  	_ =	shalt  }
0x4a: {  	_ =	shalt  }
0x4b: {  	_ =	shalt  }
0x4c: {  	_ =	shalt  }
0x4d: {  	_ =	shalt  }
0x4e: {  	_ =	shalt  }
0x4f: {  	_ =	shalt  }
0x50: {  	_ =	shalt  }
0x51: {  	_ =	shalt  }
0x52: {  	_ =	shalt  }
0x53: {  	_ =	shalt  }
0x54: {  	_ =	shalt  }
0x55: {  	_ =	shalt  }
0x56: {  	_ =	shalt  }
0x57: {  	_ =	shalt  }
0x58: {  	_ =	shalt  }
0x59: {  	_ =	shalt  }
0x5a: {  	_ =	shalt  }
0x5b: {  	_ =	shalt  }
0x5c: {  	_ =	shalt  }
0x5d: {  	_ =	shalt  }
0x5e: {  	_ =	shalt  }
0x5f: {  	_ =	shalt  }
0x60: {  	_ =	shalt  }
0x61: {  	_ =	shalt  }
0x62: {  	_ =	shalt  }
0x63: {  	_ =	shalt  }
0x64: {  	_ =	shalt  }
0x65: {  	_ =	shalt  }
0x66: {  	_ =	shalt  }
0x67: {  	_ =	shalt  }
0x68: {  	_ =	shalt  }
0x69: {  	_ =	shalt  }
0x6a: {  	_ =	shalt  }
0x6b: {  	_ =	shalt  }
0x6c: {  	_ =	shalt  }
0x6d: {  	_ =	shalt  }
0x6e: {  	_ =	shalt  }
0x6f: {  	_ =	shalt  }
0x70: {  	_ =	shalt  }
0x71: {  	_ =	shalt  }
0x72: {  	_ =	shalt  }
0x73: {  	_ =	shalt  }
0x74: {  	_ =	shalt  }
0x75: {  	_ =	shalt  }
0x76: {  	_ =	shalt  }
0x77: {  	_ =	shalt  }
0x78: {  	_ =	shalt  }
0x79: {  	_ =	shalt  }
0x7a: {  	_ =	shalt  }
0x7b: {  	_ =	shalt  }
0x7c: {  	_ =	shalt  }
0x7d: {  	_ =	shalt  }
0x7e: {  	_ =	shalt  }
0x7f: {  	_ =	shalt  }
0x80: {  	_ =	shalt  }
0x81: {  	_ =	shalt  }
0x82: {  	_ =	shalt  }
0x83: {  	_ =	shalt  }
0x84: {  	_ =	shalt  }
0x85: {  	_ =	shalt  }
0x86: {  	_ =	shalt  }
0x87: {  	_ =	shalt  }
.Lfunc_end0:
.L_simem_size_0:
called_computation_lowered:
.L_overlay_start_0:
0x88: {  	s2 =	sld [smem:$0x3FD9]  }
0x89: {  	s3 =	sld [smem:$0x3FFE];
	_ =	sdelay $0x1  }
0x8a: {  	s1 =	srdreg.scid  }
0x8b: {  	s0 =	sand.u32 $0x1, s1  }
0x8c: {  	s17 =	sshll.u32 s0, $0xA;
	s2 =	sadd.s32 s3, s2  }
0x8d: {  	s2 =	sadd.s32 s2, s17  }
0x8e: {  	[smem:$0x3FC0] =	sst s2  }
0x8f: {  	_ = 	snop  }
0x90: {  	s2 =	sld [smem:$0x3FC9]  }
0x91: {  	s18 =	sld [smem:$0x3FD0];
	(tm) =	ssettm $0x1  }
0x92: {  	s4 =	sld [smem:$0x3FFB];
	_ =	sdelay $0x3  }
0x93: {  	_ =	strace s4  }
0x94: {  	s4 =	sld [smem:$0x3FFC];
	_ =	sdelay $0x3  }
0x95: {  	_ =	strace s4  }
0x96: {  	s4 =	sld [smem:$0x3FFD];
	_ =	sdelay $0x3  }
0x97: {  	_ =	strace s4  }
0x98: {  	_ =	strace $0x8FFFFFFF  }
0x99: {  	s19 =	sld [smem:$0x3FDB];
	_ =	sdelay $0x1  }
0x9a: {  	s5 =	simm.s32 $_scs_section_size  }
0x9b: {  	s6 =	simm.s32 $_size__tile_overlayer_lowered;
	s7 =	simm.s32 $_tile_overlayer_lowered  }
0x9c: {  	s22 =	simm.s32 $0x1BFF;
	s21 =	sshll.u32 s7, $0x1;
	s4 =	sadd.s32 s5, s19  }
0x9d: {  	s8 =	simm.s32 $0x0;
	s20 =	sshll.u32 s6, $0x1;
	s6 =	sadd.s32 s21, s4  }
0x9e: {  	[timem:s8], [sflag:s22] =	dma.local [hbm:s6], s20  }
0x9f: {  	_ =	swait.ge [sflag:s22], s20  }
0xa0: {  	s5 =	ssub.s32 $0x0, s20;
	[sflag:s22] =	ssyncset.done $0x0  }
0xa1: {  	[sflag:s22] =	ssyncadd.s32 s5;
	_ =	sdelay $0x1  }
0xa2: {  	s23 =	simm.s32 $0x1B8B  }
0xa3: {  	_ =	swait.ge [sflag:s23], $0x1  }
0xa4: {  	[sflag:s23] =	ssyncset.done $0x0  }
0xa5: {  	s25 =	simm.s32 $0x1B8E;
	s24 =	sld [smem:$0x3FFE];
	[sflag:s23] =	ssyncadd.s32 $0xFFFFFFFF  }
0xa6: {  	s26 =	simm.s32 $execute0_lowered;
	[smem:$0x3FD2] =	sst s25  }
0xa7: {  	s6 =	sshll.u32 s26, $0x1;
	_ =	strace $0x80000046;
	[dreg:$0x1] =	wrdreg $0xFFFFFFFF  }
0xa8: {  	s28 =	simm.s32 $_size_execute0_lowered;
	s4 =	sadd.s32 s4, s6;
	[dreg:$0x0] =	wrdreg $0x0  }
0xa9: {  	s6 =	sshll.u32 s28, $0x1;
	[dreg:$0x2] =	wrdreg s4  }
0xaa: {  	[dreg:$0x3] =	wrdreg s6  }
0xab: {  	[dreg:$0x4] =	wrdreg $0xC0  }
0xac: {  	_ =	task [dreg:s8], $0x5FFFF  }
0xad: {  	[dreg:$0x1] =	wrdreg $0xFFFFFFFF  }
0xae: {  	[dreg:$0x0] =	wrdreg $0x60  }
0xaf: {  	[dreg:$0x2] =	wrdreg s24  }
0xb0: {  	[dreg:$0x3] =	wrdreg s2  }
0xb1: {  	[dreg:$0x4] =	wrdreg s18  }
0xb2: {  	[dreg:$0x5] =	wrdreg $0x0  }
0xb3: {  	[dreg:$0x6] =	wrdreg $0x140000  }
0xb4: {  	[dreg:$0x7] =	wrdreg $0x145000  }
0xb5: {  	[dreg:$0x8] =	wrdreg $0x142800  }
0xb6: {  	[dreg:$0x9] =	wrdreg $0x9  }
0xb7: {  	_ =	task.clear_ibuf [dreg:s8], $0xAFFFF;
	_ =	strace $0x90000046  }
0xb8: {  	s29 =	simm.s32 $0x9;
	_ =	strace $0x80000048  }
0xb9: {  	_ =	swait.ge [sflag:s29], $0x1  }
0xba: {  	[sflag:s29] =	ssyncadd.s32 $0xFFFFFFFF  }
0xbb: {  	_ =	strace $0x90000048  }
0xbc: {  	_ =	sfence  }
0xbd: {  	s30 =	sld [smem:$0x0];
	_ =	sdelay $0x2  }
0xbe: {  	s31 =	sshll.u32 s1, $0xD;
	s1 =	sshrl.u32 s1, $0x2  }
0xbf: {  	s3 =	sand.u32 $0x4000, s31;
	s1 =	sadd.s32 s1, s30  }
0xc0: {  	s0 =	sor.u32 s3, s0;
	s1 =	sshll.u32 s1, $0x11  }
0xc1: {  	s0 =	sor.u32 s1, s0  }
0xc2: {  	s0 =	sadd.s32 $0x8F2B, s0  }
0xc3: {  	[sflag:s0] =	ssyncadd.remote.s32 $0x1  }
0xc4: {  	_ =	sfence.sel $0xFFFF  }
0xc5: {  	[dreg:$0x0] =	wrdreg $0xFFFFFFFF;
	(pc) =	sbr.abs _section_cstart, $3  }
0xc6: {  	[dreg:$0x1] =	wrdreg $0xFFFFFFFF  }
0xc7: {  	_ =	task.clear_ibuf [dreg:s8], $0x2FFFF;
	_ =	strace $0x9FFFFFFF  }
0xc8: {  	(tm) =	ssettm $0x7FFFFFFF  }
0xc9: {  	_ =	shalt  }
tec
execute0_lowered:
.L_overlay_start_1:
0x0: {  	(tag) =	ssettag $0x1  }
0x1: {  	s1 =	rddreg [dreg:$0x0]  }
0x2: {  	s0 =	rddreg [dreg:$0x1]  }
0x3: {  	s2 =	rddreg [dreg:$0x3]  }
0x4: {  	s3 =	rddreg [dreg:$0x4]  }
0x5: {  	s6 =	rddreg [dreg:$0x5]  }
0x6: {  	s4 =	srdreg.scid;
	s5 =	stileid.u32  }
0x7: {  	s7 =	rddreg [dreg:$0x6];
	s9 =	smul.u32 $0x14000, s5  }
0x8: {  	s10 =	simm.s32 $0x0;
	s4 =	sand.u32 $0x1, s4;
	s11 =	smul.u32 $0x500, s5  }
0x9: {  	[smem:$0x7FF] =	sst s10;
	s23 =	sshll.u32 s5, $0x4;
	s14 =	smul.u32 $0x280, s5  }
0xa: {  	s24 =	sadd.s32 $0x15200, s1;
	s10 =	sadd.s32 $0x17A00, s1;
	s15 =	smul.u32 $0x50000, s5  }
0xb: {  	s8 =	smul.u32 $0x140000, s4;
	_ =	strace $0x80000047;
	s20 =	sadd.s32 s23, s1  }
0xc: {  	[dreg:$0x8] =	wrdreg s24;
	s12 =	sshll.u32 s4, $0x7;
	s25 =	ssub.s32 $0x2, s4  }
0xd: {  	s22 =	sshll.u32 s4, $0x4;
	s31 =	sshll.u32 s4, $0x8;
	s24 =	simm.s32 $0x1  }
0xe: {  	s11 =	sor.u32 s12, s11;
	s13 =	sshrl.u32 s25, $0x1;
	s26 =	sadd.s32 s14, s6  }
0xf: {  	s28 =	sshrl.u32 s15, $0x2;
	s30 =	sadd.s32 s14, s7;
	s19 =	sadd.s32 $0x1600, s20  }
0x10: {  	s4 =	sadd.s32 s31, s20;
	s22 =	sor.u32 s22, s5;
	s8 =	sadd.s32 s9, s8  }
0x11: {  	s11 =	sshrl.u32 s11, $0x3;
	s18 =	ssub.s32 s25, s13;
	[dreg:$0x9] =	wrdreg s26  }
0x12: {  	s29 =	sadd.s32 s28, s2;
	[dreg:$0xb] =	wrdreg s30;
	s20 =	sadd.s32 $0xB400, s4  }
0x13: {  	s21 =	sadd.s32 s31, s19;
	s26 =	simm.s32 $0x18C00;
	s4 =	simm.s32 $0x0  }
0x14: {  	s8 =	sshrl.u32 s8, $0x3;
	[dreg:$0xa] =	wrdreg s29;
	s18 =	smax.u32 s18, $0x1  }
0x15: {  	s8 =	sadd.s32 s8, s1;
	s1 =	sadd.s32 s11, s1;
	s11 =	sadd.s32 s14, s3  }
0x16: {  	s15 =	sadd.s32 $0x18600, s1;
	s16 =	sadd.s32 $0x19000, s8;
	s17 =	sadd.s32 $0x17C00, s1  }
.LBB2_1:
0x17: {  	s1 =	rddreg [dreg:$0x2];
	s8 =	simm.s32 $0x0;
	s9 =	simm.s32 $0x18880  }
0x18: {  	[tilespmem:s9], [sflag:$0x1] =	stream.linear.gather [hbm4b:s1+s8], $0x80, $0x38;
	[tilespmem:$0x18E80] =	vst v63  }
0x19: {  	_ =	swait.ge [sflag:s24], $0x80  }
0x1a: {  	s13 =	sshll.u32 s5, $0x6;
	[sflag:s24] =	ssyncset.done $0x0  }
0x1b: {  	s14 =	sshrl.u32 s11, $0x3;
	s1 =	sor.u32 $0x1C01, s13;
	[sflag:s24] =	ssyncadd.s32 $0xFFFFFF80  }
0x1c: {  	[spmem:s14], [sflag:s1] =	dma.local [hbm:s10], $0x50  }
0x1d: {  	_ =	swait.ge [sflag:s24], $0x50  }
0x1e: {  	[sflag:s24] =	ssyncset.done $0x0;
	s23 =	rddreg [dreg:$0x9]  }
0x1f: {  	[sflag:s24] =	ssyncadd.s32 $0xFFFFFFB0;
	s8 =	sshrl.u32 s23, $0x3  }
0x20: {  	[spmem:s8], [sflag:s1] =	dma.local [hbm:s10], $0x50  }
0x21: {  	_ =	swait.ge [sflag:s24], $0x50  }
0x22: {  	[sflag:s24] =	ssyncset.done $0x0;
	s25 =	rddreg [dreg:$0xa]  }
0x23: {  	s30 =	rddreg [dreg:$0x8];
	[sflag:s24] =	ssyncadd.s32 $0xFFFFFFB0;
	s23 =	sshrl.u32 s25, $0x3  }
0x24: {  	[spmem:s23], [sflag:s1] =	dma.local [hbm:s30], $0x2800  }
0x25: {  	s25 =	sadd.s32 $0x0, s5;
	_ =	swait.ge [sflag:s24], $0x2800  }
0x26: {  	p1 =	sgt.u32 s25, $0x9C3;
	[sflag:s24] =	ssyncset.done $0x0  }
0x27: {  	p0 =	por p1, p1;
	s25 =	simm.s32 @!p1 $0x0;
	[sflag:s24] =	ssyncadd.s32 $0xFFFFD800  }
0x28: {  	s28 =	simm.s32 @!p1 $0x14780;
	s29 =	simm.s32 @!p0 $0x2;
	[bflag:$0x0] =	sbarrier.arrive $0xFFFF  }
0x29: {  	[tilespmem:s28], [sflag:$0x2] =	stream.linear.gather @!p0 [hbm4b:s19+s25], $0x80, $0x38;
	[tilespmem:$0x18E80] =	vst v63  }
0x2a: {  	_ =	swait.ge @!p0 [sflag:s29], $0x80  }
0x2b: {  	s31 =	sadd.s32 $0x10, s5;
	[sflag:s29] =	ssyncset.done @!p0 $0x0  }
0x2c: {  	s25 =	simm.s32 @!p0 $0x80;
	[sflag:s29] =	ssyncadd.s32 @!p0 $0xFFFFFF80;
	s29 =	simm.s32 @!p0 $0x18880  }
0x2d: {  	[spmem:s3] =	stream.indirect.scatter.add.f32 @!p0 [tilespmem:s29], [sflag:$0x1], $0x1, s28, s25, $0xb8;
	[tilespmem:$0x18E80] =	vst v63  }
0x2e: {  	p1 =	sgt.u32 s31, $0x9C3;
	s29 =	simm.s32 @!p0 $0x1  }
0x2f: {  	s28 =	simm.s32 $0x20;
	s25 =	sadd.s32 $0x100, s19;
	_ =	swait.ge @!p0 [sflag:s29], $0x80  }
.LBB2_2:
0x30: {  	s30 =	simm.s32 @!p1 $0x0  }
0x31: {  	s31 =	simm.s32 @!p1 $0x14780;
	[sflag:s29] =	ssyncset.done @!p0 $0x0;
	s9 =	smov.u32 s28  }
0x32: {  	p2 =	por p0, p0;
	p0 =	por p1, p1;
	s28 =	sadd.s32 $0x10, s28  }
0x33: {  	s12 =	simm.s32 @!p0 $0x2;
	[sflag:s29] =	ssyncadd.s32 @!p2 $0xFFFFFF80;
	p2 =	sne.s32 s28, $0x9D0  }
0x34: {  	[tilespmem:s31], [sflag:$0x2] =	stream.linear.gather @!p0 [hbm4b:s25+s30], $0x80, $0x38;
	[tilespmem:$0x18E80] =	vst v63  }
.Ltmp0:
0x35: {  	_ =	swait.ge @!p0 [sflag:s12], $0x80;
	(pc) =	sbr.rel @p2 .LBB2_2-.Ltmp0, $4  }
0x36: {  	s9 =	sadd.s32 s9, s5;
	s29 =	simm.s32 @!p0 $0x1;
	[sflag:s12] =	ssyncset.done @!p0 $0x0  }
0x37: {  	s30 =	simm.s32 @!p0 $0x18880;
	[sflag:s12] =	ssyncadd.s32 @!p0 $0xFFFFFF80;
	s12 =	simm.s32 @!p0 $0x80  }
0x38: {  	[spmem:s3] =	stream.indirect.scatter.add.f32 @!p0 [tilespmem:s30], [sflag:$0x1], $0x1, s31, s12, $0xb8;
	[tilespmem:$0x18E80] =	vst v63  }
0x39: {  	p1 =	sgt.u32 s9, $0x9C3;
	s25 =	sadd.s32 $0x100, s25;
	_ =	swait.ge @!p0 [sflag:s29], $0x80  }
0x3a: {  	s9 =	simm.s32 @!p1 $0x0  }
0x3b: {  	[sflag:s29] =	ssyncset.done @!p0 $0x0;
	p0 =	por p0, p0;
	p2 =	por p1, p1  }
0x3c: {  	s12 =	simm.s32 @!p1 $0x14780;
	s28 =	simm.s32 @!p2 $0x2;
	[sflag:s29] =	ssyncadd.s32 @!p0 $0xFFFFFF80  }
0x3d: {  	[tilespmem:s12], [sflag:$0x2] =	stream.linear.gather @!p2 [hbm4b:s25+s9], $0x80, $0x38;
	[tilespmem:$0x18E80] =	vst v63  }
0x3e: {  	_ =	swait.ge @!p2 [sflag:s28], $0x80  }
0x3f: {  	s9 =	simm.s32 @!p2 $0x1;
	[sflag:s28] =	ssyncset.done @!p2 $0x0  }
0x40: {  	s25 =	simm.s32 @!p2 $0x80;
	[sflag:s28] =	ssyncadd.s32 @!p2 $0xFFFFFF80;
	s28 =	simm.s32 @!p2 $0x18880  }
0x41: {  	[spmem:s3] =	stream.indirect.scatter.add.f32 @!p2 [tilespmem:s28], [sflag:$0x1], $0x1, s12, s25, $0xb8;
	[tilespmem:$0x18E80] =	vst v63  }
0x42: {  	_ =	swait.ge @!p2 [sflag:s9], $0x80  }
0x43: {  	p0 =	por p2, p2;
	[sflag:s9] =	ssyncset.done @!p2 $0x0  }
0x44: {  	[sflag:s9] =	ssyncadd.s32 @!p0 $0xFFFFFF80  }
0x45: {  	s13 =	simm.s32 $0x18980;
	[bflag:$0x0] =	sbarrier.arrive $0xFFFF  }
0x46: {  	[tilespmem:s13], [sflag:$0x1] =	stream.linear.gather [spmem:s11], $0x280, $0x38;
	[tilespmem:$0x18E80] =	vst v63  }
0x47: {  	_ =	swait.ge [sflag:s24], $0x280  }
0x48: {  	[sflag:s24] =	ssyncset.done $0x0  }
0x49: {  	[sflag:s24] =	ssyncadd.s32 $0xFFFFFD80  }
0x4a: {  	v0 =	vld [tilespmem:$0x18980]  }
0x4b: {  	v1 =	vld [tilespmem:$0x18990]  }
0x4c: {  	v2 =	vld [tilespmem:$0x189A0]  }
0x4d: {  	v3 =	vld [tilespmem:$0x189B0]  }
0x4e: {  	v4 =	vld [tilespmem:$0x189C0]  }
0x4f: {  	v5 =	vld [tilespmem:$0x189D0];
	v0 =	vmax.f32 v0, $1.000000000e+00  }
0x50: {  	v8 =	vld [tilespmem:$0x189E0];
	v7 =	vmax.f32 v1, $1.000000000e+00;
	(erf) = vrcp.f32 v0  }
0x51: {  	v10 =	vld [tilespmem:$0x189F0];
	v9 =	vmax.f32 v2, $1.000000000e+00;
	(erf) = vrcp.f32 v7  }
0x52: {  	v12 =	vld [tilespmem:$0x18A00];
	v11 =	vmax.f32 v3, $1.000000000e+00;
	(erf) = vrcp.f32 v9  }
0x53: {  	v14 =	vld [tilespmem:$0x18A10];
	v13 =	vmax.f32 v4, $1.000000000e+00;
	(erf) = vrcp.f32 v11  }
0x54: {  	v16 =	vld [tilespmem:$0x18A20];
	v15 =	vmax.f32 v5, $1.000000000e+00;
	(erf) = vrcp.f32 v13  }
0x55: {  	v18 =	vld [tilespmem:$0x18A30];
	v17 =	vmax.f32 v8, $1.000000000e+00;
	(erf) = vrcp.f32 v15  }
0x56: {  	v20 =	vld [tilespmem:$0x18A40];
	v19 =	vmax.f32 v10, $1.000000000e+00;
	(erf) = vrcp.f32 v17  }
0x57: {  	v22 =	vld [tilespmem:$0x18A50];
	v21 =	vmax.f32 v12, $1.000000000e+00;
	(erf) = vrcp.f32 v19  }
0x58: {  	v24 =	vld [tilespmem:$0x18A60];
	v23 =	vmax.f32 v14, $1.000000000e+00;
	(erf) = vrcp.f32 v21  }
0x59: {  	v26 =	vld [tilespmem:$0x18A70];
	v25 =	vmax.f32 v16, $1.000000000e+00;
	v6 =	vpop (erf);
	(erf) = vrcp.f32 v23  }
0x5a: {  	v29 =	vld [tilespmem:$0x18A80];
	v28 =	vmax.f32 v18, $1.000000000e+00;
	[tilespmem:$0x18C00] =	vst v6;
	v27 =	vpop (erf);
	(erf) = vrcp.f32 v25  }
0x5b: {  	v32 =	vld [tilespmem:$0x18A90];
	v31 =	vmax.f32 v20, $1.000000000e+00;
	[tilespmem:$0x18C10] =	vst v27;
	v30 =	vpop (erf);
	(erf) = vrcp.f32 v28  }
0x5c: {  	v35 =	vld [tilespmem:$0x18AA0];
	v34 =	vmax.f32 v22, $1.000000000e+00;
	[tilespmem:$0x18C20] =	vst v30;
	v33 =	vpop (erf);
	(erf) = vrcp.f32 v31  }
0x5d: {  	v38 =	vld [tilespmem:$0x18AB0];
	v37 =	vmax.f32 v24, $1.000000000e+00;
	[tilespmem:$0x18C30] =	vst v33;
	v36 =	vpop (erf);
	(erf) = vrcp.f32 v34  }
0x5e: {  	v41 =	vld [tilespmem:$0x18AC0];
	v40 =	vmax.f32 v26, $1.000000000e+00;
	[tilespmem:$0x18C40] =	vst v36;
	v39 =	vpop (erf);
	(erf) = vrcp.f32 v37  }
0x5f: {  	v44 =	vld [tilespmem:$0x18AD0];
	v43 =	vmax.f32 v29, $1.000000000e+00;
	[tilespmem:$0x18C50] =	vst v39;
	v42 =	vpop (erf);
	(erf) = vrcp.f32 v40  }
0x60: {  	v47 =	vld [tilespmem:$0x18AE0];
	v46 =	vmax.f32 v32, $1.000000000e+00;
	[tilespmem:$0x18C60] =	vst v42;
	v45 =	vpop (erf);
	(erf) = vrcp.f32 v43  }
0x61: {  	v50 =	vld [tilespmem:$0x18AF0];
	v49 =	vmax.f32 v35, $1.000000000e+00;
	[tilespmem:$0x18C70] =	vst v45;
	v48 =	vpop (erf);
	(erf) = vrcp.f32 v46  }
0x62: {  	v53 =	vld [tilespmem:$0x18B00];
	v52 =	vmax.f32 v38, $1.000000000e+00;
	[tilespmem:$0x18C80] =	vst v48;
	v51 =	vpop (erf);
	(erf) = vrcp.f32 v49  }
0x63: {  	v56 =	vld [tilespmem:$0x18B10];
	v55 =	vmax.f32 v41, $1.000000000e+00;
	[tilespmem:$0x18C90] =	vst v51;
	v54 =	vpop (erf);
	(erf) = vrcp.f32 v52  }
0x64: {  	v59 =	vld [tilespmem:$0x18B20];
	v58 =	vmax.f32 v44, $1.000000000e+00;
	[tilespmem:$0x18CA0] =	vst v54;
	v57 =	vpop (erf);
	(erf) = vrcp.f32 v55  }
0x65: {  	v62 =	vld [tilespmem:$0x18B30];
	v61 =	vmax.f32 v47, $1.000000000e+00;
	[tilespmem:$0x18CB0] =	vst v57;
	v60 =	vpop (erf);
	(erf) = vrcp.f32 v58  }
0x66: {  	v10 =	vld [tilespmem:$0x18B40];
	v9 =	vmax.f32 v50, $1.000000000e+00;
	[tilespmem:$0x18CC0] =	vst v60;
	v63 =	vpop (erf);
	(erf) = vrcp.f32 v61  }
0x67: {  	v12 =	vmax.f32 v53, $1.000000000e+00;
	v13 =	vld [tilespmem:$0x18B50];
	[tilespmem:$0x18CD0] =	vst v63;
	v11 =	vpop (erf);
	(erf) = vrcp.f32 v9  }
0x68: {  	v16 =	vld [tilespmem:$0x18B60];
	v15 =	vmax.f32 v56, $1.000000000e+00;
	[tilespmem:$0x18CE0] =	vst v11;
	v14 =	vpop (erf);
	(erf) = vrcp.f32 v12  }
0x69: {  	v18 =	vmax.f32 v59, $1.000000000e+00;
	v19 =	vld [tilespmem:$0x18B70];
	[tilespmem:$0x18CF0] =	vst v14;
	v17 =	vpop (erf);
	(erf) = vrcp.f32 v15  }
0x6a: {  	v22 =	vld [tilespmem:$0x18B80];
	v21 =	vmax.f32 v62, $1.000000000e+00;
	[tilespmem:$0x18D00] =	vst v17;
	v20 =	vpop (erf);
	(erf) = vrcp.f32 v18  }
0x6b: {  	v24 =	vmax.f32 v10, $1.000000000e+00;
	v25 =	vld [tilespmem:$0x18B90];
	[tilespmem:$0x18D10] =	vst v20;
	v23 =	vpop (erf);
	(erf) = vrcp.f32 v21  }
0x6c: {  	v27 =	vmax.f32 v13, $1.000000000e+00;
	v28 =	vld [tilespmem:$0x18BA0];
	[tilespmem:$0x18D20] =	vst v23;
	v26 =	vpop (erf);
	(erf) = vrcp.f32 v24  }
0x6d: {  	v30 =	vmax.f32 v16, $1.000000000e+00;
	v31 =	vld [tilespmem:$0x18BB0];
	[tilespmem:$0x18D30] =	vst v26;
	v29 =	vpop (erf);
	(erf) = vrcp.f32 v27  }
0x6e: {  	v33 =	vmax.f32 v19, $1.000000000e+00;
	v34 =	vld [tilespmem:$0x18BC0];
	[tilespmem:$0x18D40] =	vst v29;
	v32 =	vpop (erf);
	(erf) = vrcp.f32 v30  }
0x6f: {  	v36 =	vmax.f32 v22, $1.000000000e+00;
	v37 =	vld [tilespmem:$0x18BD0];
	[tilespmem:$0x18D50] =	vst v32;
	v35 =	vpop (erf);
	(erf) = vrcp.f32 v33  }
0x70: {  	v39 =	vmax.f32 v25, $1.000000000e+00;
	v40 =	vld [tilespmem:$0x18BE0];
	[tilespmem:$0x18D60] =	vst v35;
	v38 =	vpop (erf);
	(erf) = vrcp.f32 v36  }
0x71: {  	v42 =	vmax.f32 v28, $1.000000000e+00;
	v43 =	vld [tilespmem:$0x18BF0];
	[tilespmem:$0x18D70] =	vst v38;
	v41 =	vpop (erf);
	(erf) = vrcp.f32 v39  }
0x72: {  	v45 =	vmax.f32 v31, $1.000000000e+00;
	[tilespmem:$0x18D80] =	vst v41;
	v44 =	vpop (erf);
	(erf) = vrcp.f32 v42  }
0x73: {  	v47 =	vmax.f32 v34, $1.000000000e+00;
	[tilespmem:$0x18D90] =	vst v44;
	v46 =	vpop (erf);
	(erf) = vrcp.f32 v45  }
0x74: {  	v49 =	vmax.f32 v37, $1.000000000e+00;
	[tilespmem:$0x18DA0] =	vst v46;
	v48 =	vpop (erf);
	(erf) = vrcp.f32 v47  }
0x75: {  	v51 =	vmax.f32 v40, $1.000000000e+00;
	[tilespmem:$0x18DB0] =	vst v48;
	v50 =	vpop (erf);
	(erf) = vrcp.f32 v49  }
0x76: {  	v53 =	vmax.f32 v43, $1.000000000e+00;
	[tilespmem:$0x18DC0] =	vst v50;
	v52 =	vpop (erf);
	(erf) = vrcp.f32 v51  }
0x77: {  	[tilespmem:$0x18DD0] =	vst v52;
	v54 =	vpop (erf);
	(erf) = vrcp.f32 v53  }
0x78: {  	v55 =	vpop (erf);
	[tilespmem:$0x18DE0] =	vst v54  }
0x79: {  	v56 =	vpop (erf);
	[tilespmem:$0x18DF0] =	vst v55  }
0x7a: {  	v57 =	vpop (erf);
	[tilespmem:$0x18E00] =	vst v56  }
0x7b: {  	v58 =	vpop (erf);
	[tilespmem:$0x18E10] =	vst v57  }
0x7c: {  	v59 =	vpop (erf);
	[tilespmem:$0x18E20] =	vst v58  }
0x7d: {  	v60 =	vpop (erf);
	[tilespmem:$0x18E30] =	vst v59  }
0x7e: {  	v61 =	vpop (erf);
	[tilespmem:$0x18E40] =	vst v60  }
0x7f: {  	v62 =	vpop (erf);
	[tilespmem:$0x18E50] =	vst v61  }
0x80: {  	[tilespmem:$0x18E60] =	vst v62;
	v63 =	vpop (erf)  }
0x81: {  	s14 =	rddreg [dreg:$0xb];
	[tilespmem:$0x18E70] =	vst v63  }
0x82: {  	[spmem:s14] =	stream.linear.scatter [tilespmem:s26], [sflag:$0x1], $0x280, $0x38;
	[tilespmem:$0x18E80] =	vst v63  }
0x83: {  	_ =	swait.ge [sflag:s24], $0x280  }
0x84: {  	[sflag:s24] =	ssyncset.done $0x0  }
0x85: {  	s31 =	simm.s32 $0x100;
	s25 =	simm.s32 $0x80;
	[sflag:s24] =	ssyncadd.s32 $0xFFFFFD80  }
0x86: {  	[hbm4b:s15+s25] =	stream.strided.scatter [tilespmem:s26], [sflag:$0x1], $0x280, s31, s25, $0x38;
	[tilespmem:$0x18E80] =	vst v63  }
0x87: {  	_ =	swait.ge [sflag:s24], $0x280  }
0x88: {  	p0 =	sgt.u32 s22, $0x9C3;
	[sflag:s24] =	ssyncset.done $0x0  }
0x89: {  	s9 =	sadd.s32 @!p0 $0x0, s21;
	s12 =	simm.s32 @!p0 $0x0;
	[sflag:s24] =	ssyncadd.s32 $0xFFFFFD80  }
0x8a: {  	s28 =	simm.s32 @!p0 $0x2;
	s25 =	simm.s32 @!p0 $0x14780;
	[bflag:$0x0] =	sbarrier.arrive $0xFFFF  }
0x8b: {  	[tilespmem:s25], [sflag:$0x2] =	stream.linear.gather @!p0 [hbm4b:s9+s12], $0x80, $0x38;
	[tilespmem:$0x18E80] =	vst v63  }
0x8c: {  	_ =	swait.ge @!p0 [sflag:s28], $0x80  }
0x8d: {  	[sflag:s28] =	ssyncset.done @!p0 $0x0  }
0x8e: {  	s29 =	simm.s32 @!p0 $0x14800;
	s9 =	sadd.s32 @!p0 $0x0, s20;
	[sflag:s28] =	ssyncadd.s32 @!p0 $0xFFFFFF80  }
0x8f: {  	[tilespmem:s29], [sflag:$0x2] =	stream.linear.gather @!p0 [hbm4b:s9+s12], $0x80, $0x38;
	[tilespmem:$0x18E80] =	vst v63  }
0x90: {  	_ =	swait.ge @!p0 [sflag:s28], $0x80;
	p0 =	por p0, p0  }
0x91: {  	[sflag:s28] =	ssyncset.done @!p0 $0x0  }
0x92: {  	s9 =	simm.s32 @!p0 $0x80;
	s12 =	simm.s32 @!p0 $0x14880;
	[sflag:s28] =	ssyncadd.s32 @!p0 $0xFFFFFF80  }
0x93: {  	[tilespmem:s12], [sflag:$0x2] =	stream.indirect.gather @!p0 [hbm4b:s0+s9], $0x80, s29, s9, $0xb8;
	[tilespmem:$0x18E80] =	vst v63  }
0x94: {  	_ =	swait.ge @!p0 [sflag:s28], $0x4000  }
0x95: {  	[sflag:s28] =	ssyncset.done @!p0 $0x0  }
0x96: {  	[sflag:s28] =	ssyncadd.s32 @!p0 $0xFFFFC000  }
0x97: {  	[spmem:s2] =	stream.indirect.scatter.add.f32 @!p0 [tilespmem:s12], [sflag:$0x2], $0x80, s25, s9, $0xb8;
	[tilespmem:$0x18E80] =	vst v63  }
0x98: {  	_ =	swait.ge @!p0 [sflag:s28], $0x4000  }
0x99: {  	[sflag:s28] =	ssyncset.done @!p0 $0x0  }
0x9a: {  	s12 =	simm.s32 @!p0 $0x18900;
	[sflag:s28] =	ssyncadd.s32 @!p0 $0xFFFFC000  }
0x9b: {  	[tilespmem:s12], [sflag:$0x2] =	stream.indirect.gather @!p0 [spmem:s7], $0x1, s25, s9, $0xb8;
	[tilespmem:$0x18E80] =	vst v63  }
0x9c: {  	_ =	swait.ge @!p0 [sflag:s28], $0x80  }
0x9d: {  	s30 =	simm.s32 @!p0 $0x1;
	[sflag:s28] =	ssyncset.done @!p0 $0x0  }
0x9e: {  	s25 =	simm.s32 $0x200;
	[sflag:s28] =	ssyncadd.s32 @!p0 $0xFFFFFF80;
	s28 =	sadd.s32 $0x20, s22  }
0x9f: {  	[spmem:s6] =	stream.indirect.scatter.add.f32 @!p0 [tilespmem:s12], [sflag:$0x1], $0x1, s29, s9, $0xb8;
	[tilespmem:$0x18E80] =	vst v63  }
0xa0: {  	s29 =	simm.s32 $0x400;
	p1 =	sgt.u32 s28, $0x9C3;
	_ =	swait.ge @!p0 [sflag:s30], $0x80  }
.LBB2_4:
0xa1: {  	s9 =	sadd.s32 @!p1 s25, s21;
	s12 =	simm.s32 @!p1 $0x0;
	[sflag:s30] =	ssyncset.done @!p0 $0x0  }
0xa2: {  	s31 =	simm.s32 @!p1 $0x14780;
	s13 =	simm.s32 @!p1 $0x2;
	[sflag:s30] =	ssyncadd.s32 @!p0 $0xFFFFFF80  }
0xa3: {  	[tilespmem:s31], [sflag:$0x2] =	stream.linear.gather @!p1 [hbm4b:s9+s12], $0x80, $0x38;
	[tilespmem:$0x18E80] =	vst v63  }
0xa4: {  	s9 =	smov.u32 s29;
	s29 =	sadd.s32 $0x200, s29;
	_ =	swait.ge @!p1 [sflag:s13], $0x80  }
0xa5: {  	s14 =	simm.s32 @!p1 $0x14800;
	s30 =	sadd.s32 @!p1 s25, s20;
	[sflag:s13] =	ssyncset.done @!p1 $0x0  }
0xa6: {  	p2 =	sne.s32 s29, $0x9E00;
	s25 =	smov.u32 s9;
	[sflag:s13] =	ssyncadd.s32 @!p1 $0xFFFFFF80  }
0xa7: {  	[tilespmem:s14], [sflag:$0x2] =	stream.linear.gather @!p1 [hbm4b:s30+s12], $0x80, $0x38;
	[tilespmem:$0x18E80] =	vst v63  }
0xa8: {  	p0 =	por p1, p1;
	_ =	swait.ge @!p1 [sflag:s13], $0x80  }
0xa9: {  	s9 =	simm.s32 @!p0 $0x80;
	s12 =	simm.s32 @!p0 $0x14880;
	[sflag:s13] =	ssyncset.done @!p0 $0x0  }
0xaa: {  	[sflag:s13] =	ssyncadd.s32 @!p0 $0xFFFFFF80  }
0xab: {  	[tilespmem:s12], [sflag:$0x2] =	stream.indirect.gather @!p0 [hbm4b:s0+s9], $0x80, s14, s9, $0xb8;
	[tilespmem:$0x18E80] =	vst v63  }
0xac: {  	_ =	swait.ge @!p0 [sflag:s13], $0x4000  }
0xad: {  	[sflag:s13] =	ssyncset.done @!p0 $0x0  }
0xae: {  	[sflag:s13] =	ssyncadd.s32 @!p0 $0xFFFFC000  }
0xaf: {  	[spmem:s2] =	stream.indirect.scatter.add.f32 @!p0 [tilespmem:s12], [sflag:$0x2], $0x80, s31, s9, $0xb8;
	[tilespmem:$0x18E80] =	vst v63  }
0xb0: {  	_ =	swait.ge @!p0 [sflag:s13], $0x4000  }
0xb1: {  	s12 =	simm.s32 @!p0 $0x18900;
	[sflag:s13] =	ssyncset.done @!p0 $0x0  }
0xb2: {  	[sflag:s13] =	ssyncadd.s32 @!p0 $0xFFFFC000  }
0xb3: {  	[tilespmem:s12], [sflag:$0x2] =	stream.indirect.gather @!p0 [spmem:s7], $0x1, s31, s9, $0xb8;
	[tilespmem:$0x18E80] =	vst v63  }
.Ltmp1:
0xb4: {  	_ =	swait.ge @!p0 [sflag:s13], $0x80;
	(pc) =	sbr.rel @p2 .LBB2_4-.Ltmp1, $4  }
0xb5: {  	[sflag:s13] =	ssyncset.done @!p0 $0x0  }
0xb6: {  	s28 =	sadd.s32 $0x20, s28;
	s30 =	simm.s32 @!p0 $0x1;
	[sflag:s13] =	ssyncadd.s32 @!p0 $0xFFFFFF80  }
0xb7: {  	[spmem:s6] =	stream.indirect.scatter.add.f32 @!p0 [tilespmem:s12], [sflag:$0x1], $0x1, s14, s9, $0xb8;
	[tilespmem:$0x18E80] =	vst v63  }
0xb8: {  	p1 =	sgt.u32 s28, $0x9C3;
	_ =	swait.ge @!p0 [sflag:s30], $0x80  }
0xb9: {  	s9 =	sadd.s32 @!p1 s25, s21;
	s12 =	simm.s32 @!p1 $0x0;
	[sflag:s30] =	ssyncset.done @!p0 $0x0  }
0xba: {  	s13 =	simm.s32 @!p1 $0x14780;
	s14 =	simm.s32 @!p1 $0x2;
	[sflag:s30] =	ssyncadd.s32 @!p0 $0xFFFFFF80  }
0xbb: {  	[tilespmem:s13], [sflag:$0x2] =	stream.linear.gather @!p1 [hbm4b:s9+s12], $0x80, $0x38;
	[tilespmem:$0x18E80] =	vst v63  }
0xbc: {  	_ =	swait.ge @!p1 [sflag:s14], $0x80  }
0xbd: {  	[sflag:s14] =	ssyncset.done @!p1 $0x0  }
0xbe: {  	s9 =	sadd.s32 @!p1 s25, s20;
	s25 =	simm.s32 @!p1 $0x14800;
	[sflag:s14] =	ssyncadd.s32 @!p1 $0xFFFFFF80  }
0xbf: {  	[tilespmem:s25], [sflag:$0x2] =	stream.linear.gather @!p1 [hbm4b:s9+s12], $0x80, $0x38;
	[tilespmem:$0x18E80] =	vst v63  }
0xc0: {  	p0 =	por p1, p1;
	_ =	swait.ge @!p1 [sflag:s14], $0x80  }
0xc1: {  	[sflag:s14] =	ssyncset.done @!p0 $0x0  }
0xc2: {  	s9 =	simm.s32 @!p0 $0x80;
	s12 =	simm.s32 @!p0 $0x14880;
	[sflag:s14] =	ssyncadd.s32 @!p0 $0xFFFFFF80  }
0xc3: {  	[tilespmem:s12], [sflag:$0x2] =	stream.indirect.gather @!p0 [hbm4b:s0+s9], $0x80, s25, s9, $0xb8;
	[tilespmem:$0x18E80] =	vst v63  }
0xc4: {  	_ =	swait.ge @!p0 [sflag:s14], $0x4000  }
0xc5: {  	[sflag:s14] =	ssyncset.done @!p0 $0x0  }
0xc6: {  	[sflag:s14] =	ssyncadd.s32 @!p0 $0xFFFFC000  }
0xc7: {  	[spmem:s2] =	stream.indirect.scatter.add.f32 @!p0 [tilespmem:s12], [sflag:$0x2], $0x80, s13, s9, $0xb8;
	[tilespmem:$0x18E80] =	vst v63  }
0xc8: {  	_ =	swait.ge @!p0 [sflag:s14], $0x4000  }
0xc9: {  	[sflag:s14] =	ssyncset.done @!p0 $0x0  }
0xca: {  	s12 =	simm.s32 @!p0 $0x18900;
	[sflag:s14] =	ssyncadd.s32 @!p0 $0xFFFFC000  }
0xcb: {  	[tilespmem:s12], [sflag:$0x2] =	stream.indirect.gather @!p0 [spmem:s7], $0x1, s13, s9, $0xb8;
	[tilespmem:$0x18E80] =	vst v63  }
0xcc: {  	_ =	swait.ge @!p0 [sflag:s14], $0x80  }
0xcd: {  	[sflag:s14] =	ssyncset.done @!p0 $0x0  }
0xce: {  	s13 =	simm.s32 @!p0 $0x1;
	[sflag:s14] =	ssyncadd.s32 @!p0 $0xFFFFFF80  }
0xcf: {  	[spmem:s6] =	stream.indirect.scatter.add.f32 @!p0 [tilespmem:s12], [sflag:$0x1], $0x1, s25, s9, $0xb8;
	[tilespmem:$0x18E80] =	vst v63  }
0xd0: {  	_ =	swait.ge @!p0 [sflag:s13], $0x80  }
0xd1: {  	[sflag:s13] =	ssyncset.done @!p0 $0x0  }
0xd2: {  	[sflag:s13] =	ssyncadd.s32 @!p0 $0xFFFFFF80  }
0xd3: {  	[bflag:$0x0] =	sbarrier.arrive $0xFFFF  }
0xd4: {  	[hbm:s16], [sflag:s1] =	dma.local [spmem:s23], $0x2800  }
0xd5: {  	s4 =	sadd.s32 $0x1, s4;
	_ =	swait.ge [sflag:s24], $0x2800  }
0xd6: {  	s31 =	simm.s32 $0x10;
	p0 =	sne.s32 s4, s18;
	[sflag:s24] =	ssyncset.done $0x0  }
.Ltmp2:
0xd7: {  	s30 =	simm.s32 $0x20;
	[sflag:s24] =	ssyncadd.s32 $0xFFFFD800;
	(pc) =	sbr.rel @p0 .LBB2_1-.Ltmp2, $4  }
0xd8: {  	[hbm:s17@s30], [sflag:s1] =	dma.strided [spmem:s8@s31], $0x50, s24, $0x10   }
0xd9: {  	_ =	swait.ge [sflag:s24], $0x50  }
0xda: {  	[sflag:s24] =	ssyncset.done $0x0  }
0xdb: {  	[sflag:s24] =	ssyncadd.s32 $0xFFFFFFB0  }
0xdc: {  	_ =	sfence.sel $0x180000  }
0xdd: {  	[bflag:$0x0] =	sbarrier.arrive $0xFFFF  }
0xde: {  	_ =	strace $0x90000047  }
0xdf: {  	[bflag:$0x2] =	sbarrier.arrive $0xFFFF  }
0xe0: {  	p0 =	sne.s32 s5, $0x0;
	s0 =	rddreg [dreg:$0x7]  }
0xe1: {  	s0 =	sadd.s32 @!p0 $0x100000, s0  }
0xe2: {  	[sflag:s0] =	ssyncadd.tile.s32 @!p0 $0x1;
	_ =	shalt  }
.Lfunc_end2:
_tile_overlayer_lowered:
.L_overlay_start_2:
0xe3: {  	(tag) =	ssettag $0x2  }
0xe4: {  	s0 =	rddreg [dreg:$0x0];
	s2 =	stileid.u32  }
0xe5: {  	s1 =	rddreg [dreg:$0x1];
	p0 =	sne.s32 s2, $0x0  }
0xe6: {  	s3 =	rddreg [dreg:$0x2];
	[bflag:$0x3] =	sbarrier.arrive $0xFFFF;
	s2 =	simm.s32 @!p0 $0x1C01  }
0xe7: {  	[timem:s3], [sflag:s2] =	dma.local @!p0 [hbm:s0], s1  }
0xe8: {  	s0 =	simm.s32 @!p0 $0x1  }
0xe9: {  	_ =	swait.ge @!p0 [sflag:s0], s1  }
0xea: {  	s1 =	ssub.s32 @!p0 $0x0, s1;
	[sflag:s0] =	ssyncset.done @!p0 $0x0  }
0xeb: {  	[sflag:s0] =	ssyncadd.s32 @!p0 s1  }
0xec: {  	[bflag:$0x3] =	sbarrier.arrive $0xFFFF  }
0xed: {  	_ =	shalt  }

</sc_bundles>
